<compile_context>
chip_gen: v7x
topology: tpu7x:2x2x1
jax: 0.10.2.dev20260603
libtpu: 0.0.44.dev20260713+nightly
codegen_flags: <defaults>
</compile_context>

<pallas_src>
import jax
import jax.numpy as jnp
from jax import lax
from jax.experimental import pallas as pl
from jax.experimental.pallas import tpu as pltpu
from jax.experimental.pallas import tpu_sc as plsc

BATCH = 4096
HIST = 50
EMBED = 128
TOTAL = BATCH * HIST
NC = 2
NS = 16
NW = NC * NS
BAT_PER_W = BATCH // NW
B_PER_W = BAT_PER_W * HIST
CHB = 4
CH = CHB * HIST
N_CHUNKS = BAT_PER_W // CHB
NBUF = 4
LOOK = 3
N_OUTER = N_CHUNKS // NBUF


def _gather_body(idx_hbm, table_hbm, out_hbm, idx_v, *bufs):
    rows = bufs[:NBUF]
    gsem = bufs[NBUF:2 * NBUF]
    ssem = bufs[2 * NBUF:]
    wid = lax.axis_index("s") * NC + lax.axis_index("c")
    wbase = wid * B_PER_W
    wbat = wid * BAT_PER_W

    pltpu.sync_copy(idx_hbm.at[pl.ds(wbase, B_PER_W)], idx_v)

    def gather_start(j, b):
        pltpu.async_copy(
            table_hbm.at[idx_v.at[pl.ds(j * CH, CH)]], rows[b], gsem[b])

    def process(j, b):
        pltpu.make_async_copy(
            table_hbm.at[idx_v.at[pl.ds(0, CH)]], rows[b], gsem[b]).wait()
        for k in range(CHB):
            pltpu.async_copy(
                rows[b].at[pl.ds(k * HIST, HIST)],
                out_hbm.at[wbat + j * CHB + k], ssem[b])

    def drain_store(b):
        for _ in range(CHB):
            pltpu.make_async_copy(
                rows[b].at[pl.ds(0, HIST)], out_hbm.at[wbat], ssem[b]).wait()

    for b in range(LOOK):
        gather_start(b, b)

    for b in range(NBUF):
        process(b, b)
        jn = b + LOOK
        bn = jn % NBUF
        if jn >= NBUF:
            drain_store(bn)
        gather_start(jn, bn)

    def body(g, carry):
        j0 = g * NBUF
        for b in range(NBUF):
            j = j0 + b
            process(j, b)
            bn = (b + LOOK) % NBUF

            @pl.when(j + LOOK < N_CHUNKS)
            def _():
                drain_store(bn)
                gather_start(j + LOOK, bn)
        return carry

    lax.fori_loop(1, N_OUTER, body, 0)

    for b in range(NBUF):
        drain_store(b)


def kernel(indices, table):
    flat_idx = indices.reshape(TOTAL)
    mesh = plsc.VectorSubcoreMesh(core_axis_name="c", subcore_axis_name="s")
    k = pl.kernel(
        _gather_body,
        mesh=mesh,
        out_type=jax.ShapeDtypeStruct((BATCH, HIST, EMBED), jnp.float32),
        scratch_types=(
            [pltpu.VMEM((B_PER_W,), jnp.int32)]
            + [pltpu.VMEM((CH, EMBED), jnp.float32)] * NBUF
            + [pltpu.SemaphoreType.DMA] * (2 * NBUF)
        ),
    )
    return k(flat_idx, table)

# --- scband reference (transcript-rebuilt; emitter-appended) ---
"""Pipeline reference for scband-embedding-encoder-23046794510674 (READ-ONLY COPY).

The authoritative reference and input builder live on the scoring server;
editing this copy changes nothing except your own understanding.
"""

import jax, jax.numpy as jnp
import numpy as np

BATCH = 4096
HIST_LEN = 50
VOCAB = 100000
EMBED_DIM = 128

def setup_inputs(seed: int = 0) -> dict:
    key = jax.random.key(seed)
    k1, k2 = jax.random.split(key)
    indices = jax.random.randint(k1, (BATCH, HIST_LEN), 0, VOCAB, dtype=jnp.int32)
    table = jax.random.normal(k2, (VOCAB, EMBED_DIM), dtype=jnp.float32) * 0.02
    return {"indices": indices, "table": table}

def reference(indices, table):
    # EmbeddingEncoder.forward: for each field, value = embedding_layer(value)
    # i.e., a row gather from the embedding table (Encoding.INDEX -> Encoding.WORD)
    out = jnp.take(table, indices, axis=0)
    return out

if __name__ == "__main__":
    import jax
    _d = setup_inputs()
    print(jax.jit(kernel)(*tuple(_d.values())))

</pallas_src>

<mosaic_0001>
#map = affine_map<(d0, d1) -> (0)>
#map1 = affine_map<(d0, d1) -> (0, 0)>
#map2 = affine_map<(d0, d1) -> (0, 0, 0)>
module attributes {stable_mosaic.version = 14 : i64} {
  func.func @_gather_body(%arg0: i32, %arg1: i32, %arg2: memref<204800xi32, #tpu.memory_space<hbm>>, %arg3: memref<100000x128xf32, #tpu.memory_space<hbm>>, %arg4: memref<4096x50x128xf32, #tpu.memory_space<hbm>>, %arg5: memref<6400xi32, #tpu.memory_space<vmem>>, %arg6: memref<200x128xf32, #tpu.memory_space<vmem>>, %arg7: memref<200x128xf32, #tpu.memory_space<vmem>>, %arg8: memref<200x128xf32, #tpu.memory_space<vmem>>, %arg9: memref<200x128xf32, #tpu.memory_space<vmem>>, %arg10: memref<!tpu.dma_semaphore, #tpu.memory_space<semaphore_mem>>, %arg11: memref<!tpu.dma_semaphore, #tpu.memory_space<semaphore_mem>>, %arg12: memref<!tpu.dma_semaphore, #tpu.memory_space<semaphore_mem>>, %arg13: memref<!tpu.dma_semaphore, #tpu.memory_space<semaphore_mem>>, %arg14: memref<!tpu.dma_semaphore, #tpu.memory_space<semaphore_mem>>, %arg15: memref<!tpu.dma_semaphore, #tpu.memory_space<semaphore_mem>>, %arg16: memref<!tpu.dma_semaphore, #tpu.memory_space<semaphore_mem>>, %arg17: memref<!tpu.dma_semaphore, #tpu.memory_space<semaphore_mem>>) attributes {dimension_semantics = [#tpu.dimension_semantics<core_parallel>, #tpu.dimension_semantics<subcore_parallel>], iteration_bounds = array<i64: 2, 16>, scalar_prefetch = 0 : i64, scratch_operands = 13 : i64, tpu.core_type = #tpu.core_type<sc_vector_subcore>, window_params = [{transform_indices = #map}, {transform_indices = #map1}, {transform_indices = #map2}]} {
    %mul3A = arith.constant 2 : i32
    %mul3A_0 = arith.muli %arg1, %mul3A : i32
    %add3A = arith.addi %mul3A_0, %arg0 : i32
    %mul3A_1 = arith.constant 6400 : i32
    %mul3A_2 = arith.muli %add3A, %mul3A_1 : i32
    %mul3A_3 = arith.constant 128 : i32
    %mul3A_4 = arith.muli %add3A, %mul3A_3 : i32
    "tpu.region"() ({
      %run_scoped3A = tpu.sem_alloc : memref<!tpu.dma_semaphore, #tpu.memory_space<semaphore_mem>>
      %dma_start3A_743 = tpu.memref_slice %arg2[%mul3A_2] : memref<204800xi32, #tpu.memory_space<hbm>> -> memref<6400xi32, #tpu.memory_space<hbm>>
      %dma_start3A_744 = tpu.memref_slice %arg2[%mul3A_2] : memref<204800xi32, #tpu.memory_space<hbm>> -> memref<6400xi32, #tpu.memory_space<hbm>>
      tpu.enqueue_dma source(%dma_start3A_744 : memref<6400xi32, #tpu.memory_space<hbm>>) target(%arg5 : memref<6400xi32, #tpu.memory_space<vmem>>) target_semaphore(%run_scoped3A : memref<!tpu.dma_semaphore, #tpu.memory_space<semaphore_mem>>)
      %dma_wait3A_745 = tpu.memref_slice %arg2[%mul3A_2] : memref<204800xi32, #tpu.memory_space<hbm>> -> memref<6400xi32, #tpu.memory_space<hbm>>
      %dma_wait3A_746 = tpu.memref_slice %arg2[%mul3A_2] : memref<204800xi32, #tpu.memory_space<hbm>> -> memref<6400xi32, #tpu.memory_space<hbm>>
      tpu.wait_dma2 semaphore(%run_scoped3A : memref<!tpu.dma_semaphore, #tpu.memory_space<semaphore_mem>>) src(%dma_wait3A_746 : memref<6400xi32, #tpu.memory_space<hbm>>) dst(%arg5 : memref<6400xi32, #tpu.memory_space<vmem>>)
      tpu.yield
    }) : () -> ()
    %dma_start3A = arith.constant 0 : i32
    %dma_start3A_5 = tpu.memref_slice %arg5[%dma_start3A] : memref<6400xi32, #tpu.memory_space<vmem>> -> memref<200xi32, #tpu.memory_space<vmem>>
    %dma_start3A_6 = arith.constant 0 : i32
    %dma_start3A_7 = arith.constant 0 : i32
    %dma_start3A_8 = tpu.memref_slice %arg3[%dma_start3A_6, %dma_start3A_7] : memref<100000x128xf32, #tpu.memory_space<hbm>> -> memref<100000x128xf32, #tpu.memory_space<hbm>>
    tpu.enqueue_indirect_dma source(%dma_start3A_8 : memref<100000x128xf32, #tpu.memory_space<hbm>>) target(%arg6 : memref<200x128xf32, #tpu.memory_space<vmem>>) offsets(%dma_start3A_5 : memref<200xi32, #tpu.memory_space<vmem>>) semaphore(%arg10 : memref<!tpu.dma_semaphore, #tpu.memory_space<semaphore_mem>>)
    %dma_start3A_9 = arith.constant 200 : i32
    %dma_start3A_10 = tpu.memref_slice %arg5[%dma_start3A_9] : memref<6400xi32, #tpu.memory_space<vmem>> -> memref<200xi32, #tpu.memory_space<vmem>>
    %dma_start3A_11 = arith.constant 0 : i32
    %dma_start3A_12 = arith.constant 0 : i32
    %dma_start3A_13 = tpu.memref_slice %arg3[%dma_start3A_11, %dma_start3A_12] : memref<100000x128xf32, #tpu.memory_space<hbm>> -> memref<100000x128xf32, #tpu.memory_space<hbm>>
    tpu.enqueue_indirect_dma source(%dma_start3A_13 : memref<100000x128xf32, #tpu.memory_space<hbm>>) target(%arg7 : memref<200x128xf32, #tpu.memory_space<vmem>>) offsets(%dma_start3A_10 : memref<200xi32, #tpu.memory_space<vmem>>) semaphore(%arg11 : memref<!tpu.dma_semaphore, #tpu.memory_space<semaphore_mem>>)
    %dma_start3A_14 = arith.constant 400 : i32
    %dma_start3A_15 = tpu.memref_slice %arg5[%dma_start3A_14] : memref<6400xi32, #tpu.memory_space<vmem>> -> memref<200xi32, #tpu.memory_space<vmem>>
    %dma_start3A_16 = arith.constant 0 : i32
    %dma_start3A_17 = arith.constant 0 : i32
    %dma_start3A_18 = tpu.memref_slice %arg3[%dma_start3A_16, %dma_start3A_17] : memref<100000x128xf32, #tpu.memory_space<hbm>> -> memref<100000x128xf32, #tpu.memory_space<hbm>>
    tpu.enqueue_indirect_dma source(%dma_start3A_18 : memref<100000x128xf32, #tpu.memory_space<hbm>>) target(%arg8 : memref<200x128xf32, #tpu.memory_space<vmem>>) offsets(%dma_start3A_15 : memref<200xi32, #tpu.memory_space<vmem>>) semaphore(%arg12 : memref<!tpu.dma_semaphore, #tpu.memory_space<semaphore_mem>>)
    %dma_wait3A = arith.constant 0 : i32
    %dma_wait3A_19 = tpu.memref_slice %arg5[%dma_wait3A] : memref<6400xi32, #tpu.memory_space<vmem>> -> memref<200xi32, #tpu.memory_space<vmem>>
    %dma_wait3A_20 = arith.constant 0 : i32
    %dma_wait3A_21 = arith.constant 0 : i32
    %dma_wait3A_22 = tpu.memref_slice %arg3[%dma_wait3A_20, %dma_wait3A_21] : memref<100000x128xf32, #tpu.memory_space<hbm>> -> memref<100000x128xf32, #tpu.memory_space<hbm>>
    tpu.wait_indirect_dma semaphore(%arg10 : memref<!tpu.dma_semaphore, #tpu.memory_space<semaphore_mem>>) src(%dma_wait3A_22 : memref<100000x128xf32, #tpu.memory_space<hbm>>) dst(%arg6 : memref<200x128xf32, #tpu.memory_space<vmem>>)
    %add3A_23 = arith.constant 0 : i32
    %add3A_24 = arith.addi %mul3A_4, %add3A_23 : i32
    %add3A_25 = arith.constant 0 : i32
    %add3A_26 = arith.addi %add3A_24, %add3A_25 : i32
    %dma_start3A_27 = arith.constant 0 : i32
    %dma_start3A_28 = arith.constant 0 : i32
    %dma_start3A_29 = tpu.memref_slice %arg6[%dma_start3A_27, %dma_start3A_28] : memref<200x128xf32, #tpu.memory_space<vmem>> -> memref<50x128xf32, #tpu.memory_space<vmem>>
    %dma_start3A_30 = arith.constant 0 : i32
    %dma_start3A_31 = arith.constant 0 : i32
    %dma_start3A_32 = tpu.memref_slice %arg4[%add3A_26, %dma_start3A_30, %dma_start3A_31] : memref<4096x50x128xf32, #tpu.memory_space<hbm>> -> memref<1x50x128xf32, #tpu.memory_space<hbm>>
    %dma_start3A_33 = tpu.memref_squeeze %dma_start3A_32 : memref<1x50x128xf32, #tpu.memory_space<hbm>> -> memref<50x128xf32, #tpu.memory_space<hbm>>
    %dma_start3A_34 = arith.constant 0 : i32
    %dma_start3A_35 = arith.constant 0 : i32
    %dma_start3A_36 = tpu.memref_slice %arg4[%add3A_26, %dma_start3A_34, %dma_start3A_35] : memref<4096x50x128xf32, #tpu.memory_space<hbm>> -> memref<1x50x128xf32, #tpu.memory_space<hbm>>
    %dma_start3A_37 = tpu.memref_squeeze %dma_start3A_36 : memref<1x50x128xf32, #tpu.memory_space<hbm>> -> memref<50x128xf32, #tpu.memory_space<hbm>>
    %dma_start3A_38 = arith.constant 0 : i32
    %dma_start3A_39 = arith.constant 0 : i32
    %dma_start3A_40 = tpu.memref_slice %arg6[%dma_start3A_38, %dma_start3A_39] : memref<200x128xf32, #tpu.memory_space<vmem>> -> memref<50x128xf32, #tpu.memory_space<vmem>>
    tpu.enqueue_dma source(%dma_start3A_40 : memref<50x128xf32, #tpu.memory_space<vmem>>) target(%dma_start3A_37 : memref<50x128xf32, #tpu.memory_space<hbm>>) target_semaphore(%arg14 : memref<!tpu.dma_semaphore, #tpu.memory_space<semaphore_mem>>)
    %add3A_41 = arith.constant 0 : i32
    %add3A_42 = arith.addi %mul3A_4, %add3A_41 : i32
    %add3A_43 = arith.constant 1 : i32
    %add3A_44 = arith.addi %add3A_42, %add3A_43 : i32
    %dma_start3A_45 = arith.constant 50 : i32
    %dma_start3A_46 = arith.constant 0 : i32
    %dma_start3A_47 = tpu.memref_slice %arg6[%dma_start3A_45, %dma_start3A_46] : memref<200x128xf32, #tpu.memory_space<vmem>> -> memref<50x128xf32, #tpu.memory_space<vmem>>
    %dma_start3A_48 = arith.constant 0 : i32
    %dma_start3A_49 = arith.constant 0 : i32
    %dma_start3A_50 = tpu.memref_slice %arg4[%add3A_44, %dma_start3A_48, %dma_start3A_49] : memref<4096x50x128xf32, #tpu.memory_space<hbm>> -> memref<1x50x128xf32, #tpu.memory_space<hbm>>
    %dma_start3A_51 = tpu.memref_squeeze %dma_start3A_50 : memref<1x50x128xf32, #tpu.memory_space<hbm>> -> memref<50x128xf32, #tpu.memory_space<hbm>>
    %dma_start3A_52 = arith.constant 0 : i32
    %dma_start3A_53 = arith.constant 0 : i32
    %dma_start3A_54 = tpu.memref_slice %arg4[%add3A_44, %dma_start3A_52, %dma_start3A_53] : memref<4096x50x128xf32, #tpu.memory_space<hbm>> -> memref<1x50x128xf32, #tpu.memory_space<hbm>>
    %dma_start3A_55 = tpu.memref_squeeze %dma_start3A_54 : memref<1x50x128xf32, #tpu.memory_space<hbm>> -> memref<50x128xf32, #tpu.memory_space<hbm>>
    %dma_start3A_56 = arith.constant 50 : i32
    %dma_start3A_57 = arith.constant 0 : i32
    %dma_start3A_58 = tpu.memref_slice %arg6[%dma_start3A_56, %dma_start3A_57] : memref<200x128xf32, #tpu.memory_space<vmem>> -> memref<50x128xf32, #tpu.memory_space<vmem>>
    tpu.enqueue_dma source(%dma_start3A_58 : memref<50x128xf32, #tpu.memory_space<vmem>>) target(%dma_start3A_55 : memref<50x128xf32, #tpu.memory_space<hbm>>) target_semaphore(%arg14 : memref<!tpu.dma_semaphore, #tpu.memory_space<semaphore_mem>>)
    %add3A_59 = arith.constant 0 : i32
    %add3A_60 = arith.addi %mul3A_4, %add3A_59 : i32
    %add3A_61 = arith.constant 2 : i32
    %add3A_62 = arith.addi %add3A_60, %add3A_61 : i32
    %dma_start3A_63 = arith.constant 100 : i32
    %dma_start3A_64 = arith.constant 0 : i32
    %dma_start3A_65 = tpu.memref_slice %arg6[%dma_start3A_63, %dma_start3A_64] : memref<200x128xf32, #tpu.memory_space<vmem>> -> memref<50x128xf32, #tpu.memory_space<vmem>>
    %dma_start3A_66 = arith.constant 0 : i32
    %dma_start3A_67 = arith.constant 0 : i32
    %dma_start3A_68 = tpu.memref_slice %arg4[%add3A_62, %dma_start3A_66, %dma_start3A_67] : memref<4096x50x128xf32, #tpu.memory_space<hbm>> -> memref<1x50x128xf32, #tpu.memory_space<hbm>>
    %dma_start3A_69 = tpu.memref_squeeze %dma_start3A_68 : memref<1x50x128xf32, #tpu.memory_space<hbm>> -> memref<50x128xf32, #tpu.memory_space<hbm>>
    %dma_start3A_70 = arith.constant 0 : i32
    %dma_start3A_71 = arith.constant 0 : i32
    %dma_start3A_72 = tpu.memref_slice %arg4[%add3A_62, %dma_start3A_70, %dma_start3A_71] : memref<4096x50x128xf32, #tpu.memory_space<hbm>> -> memref<1x50x128xf32, #tpu.memory_space<hbm>>
    %dma_start3A_73 = tpu.memref_squeeze %dma_start3A_72 : memref<1x50x128xf32, #tpu.memory_space<hbm>> -> memref<50x128xf32, #tpu.memory_space<hbm>>
    %dma_start3A_74 = arith.constant 100 : i32
    %dma_start3A_75 = arith.constant 0 : i32
    %dma_start3A_76 = tpu.memref_slice %arg6[%dma_start3A_74, %dma_start3A_75] : memref<200x128xf32, #tpu.memory_space<vmem>> -> memref<50x128xf32, #tpu.memory_space<vmem>>
    tpu.enqueue_dma source(%dma_start3A_76 : memref<50x128xf32, #tpu.memory_space<vmem>>) target(%dma_start3A_73 : memref<50x128xf32, #tpu.memory_space<hbm>>) target_semaphore(%arg14 : memref<!tpu.dma_semaphore, #tpu.memory_space<semaphore_mem>>)
    %add3A_77 = arith.constant 0 : i32
    %add3A_78 = arith.addi %mul3A_4, %add3A_77 : i32
    %add3A_79 = arith.constant 3 : i32
    %add3A_80 = arith.addi %add3A_78, %add3A_79 : i32
    %dma_start3A_81 = arith.constant 150 : i32
    %dma_start3A_82 = arith.constant 0 : i32
    %dma_start3A_83 = tpu.memref_slice %arg6[%dma_start3A_81, %dma_start3A_82] : memref<200x128xf32, #tpu.memory_space<vmem>> -> memref<50x128xf32, #tpu.memory_space<vmem>>
    %dma_start3A_84 = arith.constant 0 : i32
    %dma_start3A_85 = arith.constant 0 : i32
    %dma_start3A_86 = tpu.memref_slice %arg4[%add3A_80, %dma_start3A_84, %dma_start3A_85] : memref<4096x50x128xf32, #tpu.memory_space<hbm>> -> memref<1x50x128xf32, #tpu.memory_space<hbm>>
    %dma_start3A_87 = tpu.memref_squeeze %dma_start3A_86 : memref<1x50x128xf32, #tpu.memory_space<hbm>> -> memref<50x128xf32, #tpu.memory_space<hbm>>
    %dma_start3A_88 = arith.constant 0 : i32
    %dma_start3A_89 = arith.constant 0 : i32
    %dma_start3A_90 = tpu.memref_slice %arg4[%add3A_80, %dma_start3A_88, %dma_start3A_89] : memref<4096x50x128xf32, #tpu.memory_space<hbm>> -> memref<1x50x128xf32, #tpu.memory_space<hbm>>
    %dma_start3A_91 = tpu.memref_squeeze %dma_start3A_90 : memref<1x50x128xf32, #tpu.memory_space<hbm>> -> memref<50x128xf32, #tpu.memory_space<hbm>>
    %dma_start3A_92 = arith.constant 150 : i32
    %dma_start3A_93 = arith.constant 0 : i32
    %dma_start3A_94 = tpu.memref_slice %arg6[%dma_start3A_92, %dma_start3A_93] : memref<200x128xf32, #tpu.memory_space<vmem>> -> memref<50x128xf32, #tpu.memory_space<vmem>>
    tpu.enqueue_dma source(%dma_start3A_94 : memref<50x128xf32, #tpu.memory_space<vmem>>) target(%dma_start3A_91 : memref<50x128xf32, #tpu.memory_space<hbm>>) target_semaphore(%arg14 : memref<!tpu.dma_semaphore, #tpu.memory_space<semaphore_mem>>)
    %dma_start3A_95 = arith.constant 600 : i32
    %dma_start3A_96 = tpu.memref_slice %arg5[%dma_start3A_95] : memref<6400xi32, #tpu.memory_space<vmem>> -> memref<200xi32, #tpu.memory_space<vmem>>
    %dma_start3A_97 = arith.constant 0 : i32
    %dma_start3A_98 = arith.constant 0 : i32
    %dma_start3A_99 = tpu.memref_slice %arg3[%dma_start3A_97, %dma_start3A_98] : memref<100000x128xf32, #tpu.memory_space<hbm>> -> memref<100000x128xf32, #tpu.memory_space<hbm>>
    tpu.enqueue_indirect_dma source(%dma_start3A_99 : memref<100000x128xf32, #tpu.memory_space<hbm>>) target(%arg9 : memref<200x128xf32, #tpu.memory_space<vmem>>) offsets(%dma_start3A_96 : memref<200xi32, #tpu.memory_space<vmem>>) semaphore(%arg13 : memref<!tpu.dma_semaphore, #tpu.memory_space<semaphore_mem>>)
    %dma_wait3A_100 = arith.constant 0 : i32
    %dma_wait3A_101 = tpu.memref_slice %arg5[%dma_wait3A_100] : memref<6400xi32, #tpu.memory_space<vmem>> -> memref<200xi32, #tpu.memory_space<vmem>>
    %dma_wait3A_102 = arith.constant 0 : i32
    %dma_wait3A_103 = arith.constant 0 : i32
    %dma_wait3A_104 = tpu.memref_slice %arg3[%dma_wait3A_102, %dma_wait3A_103] : memref<100000x128xf32, #tpu.memory_space<hbm>> -> memref<100000x128xf32, #tpu.memory_space<hbm>>
    tpu.wait_indirect_dma semaphore(%arg11 : memref<!tpu.dma_semaphore, #tpu.memory_space<semaphore_mem>>) src(%dma_wait3A_104 : memref<100000x128xf32, #tpu.memory_space<hbm>>) dst(%arg7 : memref<200x128xf32, #tpu.memory_space<vmem>>)
    %add3A_105 = arith.constant 4 : i32
    %add3A_106 = arith.addi %mul3A_4, %add3A_105 : i32
    %add3A_107 = arith.constant 0 : i32
    %add3A_108 = arith.addi %add3A_106, %add3A_107 : i32
    %dma_start3A_109 = arith.constant 0 : i32
    %dma_start3A_110 = arith.constant 0 : i32
    %dma_start3A_111 = tpu.memref_slice %arg7[%dma_start3A_109, %dma_start3A_110] : memref<200x128xf32, #tpu.memory_space<vmem>> -> memref<50x128xf32, #tpu.memory_space<vmem>>
    %dma_start3A_112 = arith.constant 0 : i32
    %dma_start3A_113 = arith.constant 0 : i32
    %dma_start3A_114 = tpu.memref_slice %arg4[%add3A_108, %dma_start3A_112, %dma_start3A_113] : memref<4096x50x128xf32, #tpu.memory_space<hbm>> -> memref<1x50x128xf32, #tpu.memory_space<hbm>>
    %dma_start3A_115 = tpu.memref_squeeze %dma_start3A_114 : memref<1x50x128xf32, #tpu.memory_space<hbm>> -> memref<50x128xf32, #tpu.memory_space<hbm>>
    %dma_start3A_116 = arith.constant 0 : i32
    %dma_start3A_117 = arith.constant 0 : i32
    %dma_start3A_118 = tpu.memref_slice %arg4[%add3A_108, %dma_start3A_116, %dma_start3A_117] : memref<4096x50x128xf32, #tpu.memory_space<hbm>> -> memref<1x50x128xf32, #tpu.memory_space<hbm>>
    %dma_start3A_119 = tpu.memref_squeeze %dma_start3A_118 : memref<1x50x128xf32, #tpu.memory_space<hbm>> -> memref<50x128xf32, #tpu.memory_space<hbm>>
    %dma_start3A_120 = arith.constant 0 : i32
    %dma_start3A_121 = arith.constant 0 : i32
    %dma_start3A_122 = tpu.memref_slice %arg7[%dma_start3A_120, %dma_start3A_121] : memref<200x128xf32, #tpu.memory_space<vmem>> -> memref<50x128xf32, #tpu.memory_space<vmem>>
    tpu.enqueue_dma source(%dma_start3A_122 : memref<50x128xf32, #tpu.memory_space<vmem>>) target(%dma_start3A_119 : memref<50x128xf32, #tpu.memory_space<hbm>>) target_semaphore(%arg15 : memref<!tpu.dma_semaphore, #tpu.memory_space<semaphore_mem>>)
    %add3A_123 = arith.constant 4 : i32
    %add3A_124 = arith.addi %mul3A_4, %add3A_123 : i32
    %add3A_125 = arith.constant 1 : i32
    %add3A_126 = arith.addi %add3A_124, %add3A_125 : i32
    %dma_start3A_127 = arith.constant 50 : i32
    %dma_start3A_128 = arith.constant 0 : i32
    %dma_start3A_129 = tpu.memref_slice %arg7[%dma_start3A_127, %dma_start3A_128] : memref<200x128xf32, #tpu.memory_space<vmem>> -> memref<50x128xf32, #tpu.memory_space<vmem>>
    %dma_start3A_130 = arith.constant 0 : i32
    %dma_start3A_131 = arith.constant 0 : i32
    %dma_start3A_132 = tpu.memref_slice %arg4[%add3A_126, %dma_start3A_130, %dma_start3A_131] : memref<4096x50x128xf32, #tpu.memory_space<hbm>> -> memref<1x50x128xf32, #tpu.memory_space<hbm>>
    %dma_start3A_133 = tpu.memref_squeeze %dma_start3A_132 : memref<1x50x128xf32, #tpu.memory_space<hbm>> -> memref<50x128xf32, #tpu.memory_space<hbm>>
    %dma_start3A_134 = arith.constant 0 : i32
    %dma_start3A_135 = arith.constant 0 : i32
    %dma_start3A_136 = tpu.memref_slice %arg4[%add3A_126, %dma_start3A_134, %dma_start3A_135] : memref<4096x50x128xf32, #tpu.memory_space<hbm>> -> memref<1x50x128xf32, #tpu.memory_space<hbm>>
    %dma_start3A_137 = tpu.memref_squeeze %dma_start3A_136 : memref<1x50x128xf32, #tpu.memory_space<hbm>> -> memref<50x128xf32, #tpu.memory_space<hbm>>
    %dma_start3A_138 = arith.constant 50 : i32
    %dma_start3A_139 = arith.constant 0 : i32
    %dma_start3A_140 = tpu.memref_slice %arg7[%dma_start3A_138, %dma_start3A_139] : memref<200x128xf32, #tpu.memory_space<vmem>> -> memref<50x128xf32, #tpu.memory_space<vmem>>
    tpu.enqueue_dma source(%dma_start3A_140 : memref<50x128xf32, #tpu.memory_space<vmem>>) target(%dma_start3A_137 : memref<50x128xf32, #tpu.memory_space<hbm>>) target_semaphore(%arg15 : memref<!tpu.dma_semaphore, #tpu.memory_space<semaphore_mem>>)
    %add3A_141 = arith.constant 4 : i32
    %add3A_142 = arith.addi %mul3A_4, %add3A_141 : i32
    %add3A_143 = arith.constant 2 : i32
    %add3A_144 = arith.addi %add3A_142, %add3A_143 : i32
    %dma_start3A_145 = arith.constant 100 : i32
    %dma_start3A_146 = arith.constant 0 : i32
    %dma_start3A_147 = tpu.memref_slice %arg7[%dma_start3A_145, %dma_start3A_146] : memref<200x128xf32, #tpu.memory_space<vmem>> -> memref<50x128xf32, #tpu.memory_space<vmem>>
    %dma_start3A_148 = arith.constant 0 : i32
    %dma_start3A_149 = arith.constant 0 : i32
    %dma_start3A_150 = tpu.memref_slice %arg4[%add3A_144, %dma_start3A_148, %dma_start3A_149] : memref<4096x50x128xf32, #tpu.memory_space<hbm>> -> memref<1x50x128xf32, #tpu.memory_space<hbm>>
    %dma_start3A_151 = tpu.memref_squeeze %dma_start3A_150 : memref<1x50x128xf32, #tpu.memory_space<hbm>> -> memref<50x128xf32, #tpu.memory_space<hbm>>
    %dma_start3A_152 = arith.constant 0 : i32
    %dma_start3A_153 = arith.constant 0 : i32
    %dma_start3A_154 = tpu.memref_slice %arg4[%add3A_144, %dma_start3A_152, %dma_start3A_153] : memref<4096x50x128xf32, #tpu.memory_space<hbm>> -> memref<1x50x128xf32, #tpu.memory_space<hbm>>
    %dma_start3A_155 = tpu.memref_squeeze %dma_start3A_154 : memref<1x50x128xf32, #tpu.memory_space<hbm>> -> memref<50x128xf32, #tpu.memory_space<hbm>>
    %dma_start3A_156 = arith.constant 100 : i32
    %dma_start3A_157 = arith.constant 0 : i32
    %dma_start3A_158 = tpu.memref_slice %arg7[%dma_start3A_156, %dma_start3A_157] : memref<200x128xf32, #tpu.memory_space<vmem>> -> memref<50x128xf32, #tpu.memory_space<vmem>>
    tpu.enqueue_dma source(%dma_start3A_158 : memref<50x128xf32, #tpu.memory_space<vmem>>) target(%dma_start3A_155 : memref<50x128xf32, #tpu.memory_space<hbm>>) target_semaphore(%arg15 : memref<!tpu.dma_semaphore, #tpu.memory_space<semaphore_mem>>)
    %add3A_159 = arith.constant 4 : i32
    %add3A_160 = arith.addi %mul3A_4, %add3A_159 : i32
    %add3A_161 = arith.constant 3 : i32
    %add3A_162 = arith.addi %add3A_160, %add3A_161 : i32
    %dma_start3A_163 = arith.constant 150 : i32
    %dma_start3A_164 = arith.constant 0 : i32
    %dma_start3A_165 = tpu.memref_slice %arg7[%dma_start3A_163, %dma_start3A_164] : memref<200x128xf32, #tpu.memory_space<vmem>> -> memref<50x128xf32, #tpu.memory_space<vmem>>
    %dma_start3A_166 = arith.constant 0 : i32
    %dma_start3A_167 = arith.constant 0 : i32
    %dma_start3A_168 = tpu.memref_slice %arg4[%add3A_162, %dma_start3A_166, %dma_start3A_167] : memref<4096x50x128xf32, #tpu.memory_space<hbm>> -> memref<1x50x128xf32, #tpu.memory_space<hbm>>
    %dma_start3A_169 = tpu.memref_squeeze %dma_start3A_168 : memref<1x50x128xf32, #tpu.memory_space<hbm>> -> memref<50x128xf32, #tpu.memory_space<hbm>>
    %dma_start3A_170 = arith.constant 0 : i32
    %dma_start3A_171 = arith.constant 0 : i32
    %dma_start3A_172 = tpu.memref_slice %arg4[%add3A_162, %dma_start3A_170, %dma_start3A_171] : memref<4096x50x128xf32, #tpu.memory_space<hbm>> -> memref<1x50x128xf32, #tpu.memory_space<hbm>>
    %dma_start3A_173 = tpu.memref_squeeze %dma_start3A_172 : memref<1x50x128xf32, #tpu.memory_space<hbm>> -> memref<50x128xf32, #tpu.memory_space<hbm>>
    %dma_start3A_174 = arith.constant 150 : i32
    %dma_start3A_175 = arith.constant 0 : i32
    %dma_start3A_176 = tpu.memref_slice %arg7[%dma_start3A_174, %dma_start3A_175] : memref<200x128xf32, #tpu.memory_space<vmem>> -> memref<50x128xf32, #tpu.memory_space<vmem>>
    tpu.enqueue_dma source(%dma_start3A_176 : memref<50x128xf32, #tpu.memory_space<vmem>>) target(%dma_start3A_173 : memref<50x128xf32, #tpu.memory_space<hbm>>) target_semaphore(%arg15 : memref<!tpu.dma_semaphore, #tpu.memory_space<semaphore_mem>>)
    %dma_wait3A_177 = arith.constant 0 : i32
    %dma_wait3A_178 = arith.constant 0 : i32
    %dma_wait3A_179 = tpu.memref_slice %arg6[%dma_wait3A_177, %dma_wait3A_178] : memref<200x128xf32, #tpu.memory_space<vmem>> -> memref<50x128xf32, #tpu.memory_space<vmem>>
    %dma_wait3A_180 = arith.constant 0 : i32
    %dma_wait3A_181 = arith.constant 0 : i32
    %dma_wait3A_182 = tpu.memref_slice %arg4[%mul3A_4, %dma_wait3A_180, %dma_wait3A_181] : memref<4096x50x128xf32, #tpu.memory_space<hbm>> -> memref<1x50x128xf32, #tpu.memory_space<hbm>>
    %dma_wait3A_183 = tpu.memref_squeeze %dma_wait3A_182 : memref<1x50x128xf32, #tpu.memory_space<hbm>> -> memref<50x128xf32, #tpu.memory_space<hbm>>
    %dma_wait3A_184 = arith.constant 0 : i32
    %dma_wait3A_185 = arith.constant 0 : i32
    %dma_wait3A_186 = tpu.memref_slice %arg4[%mul3A_4, %dma_wait3A_184, %dma_wait3A_185] : memref<4096x50x128xf32, #tpu.memory_space<hbm>> -> memref<1x50x128xf32, #tpu.memory_space<hbm>>
    %dma_wait3A_187 = tpu.memref_squeeze %dma_wait3A_186 : memref<1x50x128xf32, #tpu.memory_space<hbm>> -> memref<50x128xf32, #tpu.memory_space<hbm>>
    %dma_wait3A_188 = arith.constant 0 : i32
    %dma_wait3A_189 = arith.constant 0 : i32
    %dma_wait3A_190 = tpu.memref_slice %arg6[%dma_wait3A_188, %dma_wait3A_189] : memref<200x128xf32, #tpu.memory_space<vmem>> -> memref<50x128xf32, #tpu.memory_space<vmem>>
    tpu.wait_dma2 semaphore(%arg14 : memref<!tpu.dma_semaphore, #tpu.memory_space<semaphore_mem>>) src(%dma_wait3A_190 : memref<50x128xf32, #tpu.memory_space<vmem>>) dst(%dma_wait3A_187 : memref<50x128xf32, #tpu.memory_space<hbm>>)
    %dma_wait3A_191 = arith.constant 0 : i32
    %dma_wait3A_192 = arith.constant 0 : i32
    %dma_wait3A_193 = tpu.memref_slice %arg6[%dma_wait3A_191, %dma_wait3A_192] : memref<200x128xf32, #tpu.memory_space<vmem>> -> memref<50x128xf32, #tpu.memory_space<vmem>>
    %dma_wait3A_194 = arith.constant 0 : i32
    %dma_wait3A_195 = arith.constant 0 : i32
    %dma_wait3A_196 = tpu.memref_slice %arg4[%mul3A_4, %dma_wait3A_194, %dma_wait3A_195] : memref<4096x50x128xf32, #tpu.memory_space<hbm>> -> memref<1x50x128xf32, #tpu.memory_space<hbm>>
    %dma_wait3A_197 = tpu.memref_squeeze %dma_wait3A_196 : memref<1x50x128xf32, #tpu.memory_space<hbm>> -> memref<50x128xf32, #tpu.memory_space<hbm>>
    %dma_wait3A_198 = arith.constant 0 : i32
    %dma_wait3A_199 = arith.constant 0 : i32
    %dma_wait3A_200 = tpu.memref_slice %arg4[%mul3A_4, %dma_wait3A_198, %dma_wait3A_199] : memref<4096x50x128xf32, #tpu.memory_space<hbm>> -> memref<1x50x128xf32, #tpu.memory_space<hbm>>
    %dma_wait3A_201 = tpu.memref_squeeze %dma_wait3A_200 : memref<1x50x128xf32, #tpu.memory_space<hbm>> -> memref<50x128xf32, #tpu.memory_space<hbm>>
    %dma_wait3A_202 = arith.constant 0 : i32
    %dma_wait3A_203 = arith.constant 0 : i32
    %dma_wait3A_204 = tpu.memref_slice %arg6[%dma_wait3A_202, %dma_wait3A_203] : memref<200x128xf32, #tpu.memory_space<vmem>> -> memref<50x128xf32, #tpu.memory_space<vmem>>
    tpu.wait_dma2 semaphore(%arg14 : memref<!tpu.dma_semaphore, #tpu.memory_space<semaphore_mem>>) src(%dma_wait3A_204 : memref<50x128xf32, #tpu.memory_space<vmem>>) dst(%dma_wait3A_201 : memref<50x128xf32, #tpu.memory_space<hbm>>)
    %dma_wait3A_205 = arith.constant 0 : i32
    %dma_wait3A_206 = arith.constant 0 : i32
    %dma_wait3A_207 = tpu.memref_slice %arg6[%dma_wait3A_205, %dma_wait3A_206] : memref<200x128xf32, #tpu.memory_space<vmem>> -> memref<50x128xf32, #tpu.memory_space<vmem>>
    %dma_wait3A_208 = arith.constant 0 : i32
    %dma_wait3A_209 = arith.constant 0 : i32
    %dma_wait3A_210 = tpu.memref_slice %arg4[%mul3A_4, %dma_wait3A_208, %dma_wait3A_209] : memref<4096x50x128xf32, #tpu.memory_space<hbm>> -> memref<1x50x128xf32, #tpu.memory_space<hbm>>
    %dma_wait3A_211 = tpu.memref_squeeze %dma_wait3A_210 : memref<1x50x128xf32, #tpu.memory_space<hbm>> -> memref<50x128xf32, #tpu.memory_space<hbm>>
    %dma_wait3A_212 = arith.constant 0 : i32
    %dma_wait3A_213 = arith.constant 0 : i32
    %dma_wait3A_214 = tpu.memref_slice %arg4[%mul3A_4, %dma_wait3A_212, %dma_wait3A_213] : memref<4096x50x128xf32, #tpu.memory_space<hbm>> -> memref<1x50x128xf32, #tpu.memory_space<hbm>>
    %dma_wait3A_215 = tpu.memref_squeeze %dma_wait3A_214 : memref<1x50x128xf32, #tpu.memory_space<hbm>> -> memref<50x128xf32, #tpu.memory_space<hbm>>
    %dma_wait3A_216 = arith.constant 0 : i32
    %dma_wait3A_217 = arith.constant 0 : i32
    %dma_wait3A_218 = tpu.memref_slice %arg6[%dma_wait3A_216, %dma_wait3A_217] : memref<200x128xf32, #tpu.memory_space<vmem>> -> memref<50x128xf32, #tpu.memory_space<vmem>>
    tpu.wait_dma2 semaphore(%arg14 : memref<!tpu.dma_semaphore, #tpu.memory_space<semaphore_mem>>) src(%dma_wait3A_218 : memref<50x128xf32, #tpu.memory_space<vmem>>) dst(%dma_wait3A_215 : memref<50x128xf32, #tpu.memory_space<hbm>>)
    %dma_wait3A_219 = arith.constant 0 : i32
    %dma_wait3A_220 = arith.constant 0 : i32
    %dma_wait3A_221 = tpu.memref_slice %arg6[%dma_wait3A_219, %dma_wait3A_220] : memref<200x128xf32, #tpu.memory_space<vmem>> -> memref<50x128xf32, #tpu.memory_space<vmem>>
    %dma_wait3A_222 = arith.constant 0 : i32
    %dma_wait3A_223 = arith.constant 0 : i32
    %dma_wait3A_224 = tpu.memref_slice %arg4[%mul3A_4, %dma_wait3A_222, %dma_wait3A_223] : memref<4096x50x128xf32, #tpu.memory_space<hbm>> -> memref<1x50x128xf32, #tpu.memory_space<hbm>>
    %dma_wait3A_225 = tpu.memref_squeeze %dma_wait3A_224 : memref<1x50x128xf32, #tpu.memory_space<hbm>> -> memref<50x128xf32, #tpu.memory_space<hbm>>
    %dma_wait3A_226 = arith.constant 0 : i32
    %dma_wait3A_227 = arith.constant 0 : i32
    %dma_wait3A_228 = tpu.memref_slice %arg4[%mul3A_4, %dma_wait3A_226, %dma_wait3A_227] : memref<4096x50x128xf32, #tpu.memory_space<hbm>> -> memref<1x50x128xf32, #tpu.memory_space<hbm>>
    %dma_wait3A_229 = tpu.memref_squeeze %dma_wait3A_228 : memref<1x50x128xf32, #tpu.memory_space<hbm>> -> memref<50x128xf32, #tpu.memory_space<hbm>>
    %dma_wait3A_230 = arith.constant 0 : i32
    %dma_wait3A_231 = arith.constant 0 : i32
    %dma_wait3A_232 = tpu.memref_slice %arg6[%dma_wait3A_230, %dma_wait3A_231] : memref<200x128xf32, #tpu.memory_space<vmem>> -> memref<50x128xf32, #tpu.memory_space<vmem>>
    tpu.wait_dma2 semaphore(%arg14 : memref<!tpu.dma_semaphore, #tpu.memory_space<semaphore_mem>>) src(%dma_wait3A_232 : memref<50x128xf32, #tpu.memory_space<vmem>>) dst(%dma_wait3A_229 : memref<50x128xf32, #tpu.memory_space<hbm>>)
    %dma_start3A_233 = arith.constant 800 : i32
    %dma_start3A_234 = tpu.memref_slice %arg5[%dma_start3A_233] : memref<6400xi32, #tpu.memory_space<vmem>> -> memref<200xi32, #tpu.memory_space<vmem>>
    %dma_start3A_235 = arith.constant 0 : i32
    %dma_start3A_236 = arith.constant 0 : i32
    %dma_start3A_237 = tpu.memref_slice %arg3[%dma_start3A_235, %dma_start3A_236] : memref<100000x128xf32, #tpu.memory_space<hbm>> -> memref<100000x128xf32, #tpu.memory_space<hbm>>
    tpu.enqueue_indirect_dma source(%dma_start3A_237 : memref<100000x128xf32, #tpu.memory_space<hbm>>) target(%arg6 : memref<200x128xf32, #tpu.memory_space<vmem>>) offsets(%dma_start3A_234 : memref<200xi32, #tpu.memory_space<vmem>>) semaphore(%arg10 : memref<!tpu.dma_semaphore, #tpu.memory_space<semaphore_mem>>)
    %dma_wait3A_238 = arith.constant 0 : i32
    %dma_wait3A_239 = tpu.memref_slice %arg5[%dma_wait3A_238] : memref<6400xi32, #tpu.memory_space<vmem>> -> memref<200xi32, #tpu.memory_space<vmem>>
    %dma_wait3A_240 = arith.constant 0 : i32
    %dma_wait3A_241 = arith.constant 0 : i32
    %dma_wait3A_242 = tpu.memref_slice %arg3[%dma_wait3A_240, %dma_wait3A_241] : memref<100000x128xf32, #tpu.memory_space<hbm>> -> memref<100000x128xf32, #tpu.memory_space<hbm>>
    tpu.wait_indirect_dma semaphore(%arg12 : memref<!tpu.dma_semaphore, #tpu.memory_space<semaphore_mem>>) src(%dma_wait3A_242 : memref<100000x128xf32, #tpu.memory_space<hbm>>) dst(%arg8 : memref<200x128xf32, #tpu.memory_space<vmem>>)
    %add3A_243 = arith.constant 8 : i32
    %add3A_244 = arith.addi %mul3A_4, %add3A_243 : i32
    %add3A_245 = arith.constant 0 : i32
    %add3A_246 = arith.addi %add3A_244, %add3A_245 : i32
    %dma_start3A_247 = arith.constant 0 : i32
    %dma_start3A_248 = arith.constant 0 : i32
    %dma_start3A_249 = tpu.memref_slice %arg8[%dma_start3A_247, %dma_start3A_248] : memref<200x128xf32, #tpu.memory_space<vmem>> -> memref<50x128xf32, #tpu.memory_space<vmem>>
    %dma_start3A_250 = arith.constant 0 : i32
    %dma_start3A_251 = arith.constant 0 : i32
    %dma_start3A_252 = tpu.memref_slice %arg4[%add3A_246, %dma_start3A_250, %dma_start3A_251] : memref<4096x50x128xf32, #tpu.memory_space<hbm>> -> memref<1x50x128xf32, #tpu.memory_space<hbm>>
    %dma_start3A_253 = tpu.memref_squeeze %dma_start3A_252 : memref<1x50x128xf32, #tpu.memory_space<hbm>> -> memref<50x128xf32, #tpu.memory_space<hbm>>
    %dma_start3A_254 = arith.constant 0 : i32
    %dma_start3A_255 = arith.constant 0 : i32
    %dma_start3A_256 = tpu.memref_slice %arg4[%add3A_246, %dma_start3A_254, %dma_start3A_255] : memref<4096x50x128xf32, #tpu.memory_space<hbm>> -> memref<1x50x128xf32, #tpu.memory_space<hbm>>
    %dma_start3A_257 = tpu.memref_squeeze %dma_start3A_256 : memref<1x50x128xf32, #tpu.memory_space<hbm>> -> memref<50x128xf32, #tpu.memory_space<hbm>>
    %dma_start3A_258 = arith.constant 0 : i32
    %dma_start3A_259 = arith.constant 0 : i32
    %dma_start3A_260 = tpu.memref_slice %arg8[%dma_start3A_258, %dma_start3A_259] : memref<200x128xf32, #tpu.memory_space<vmem>> -> memref<50x128xf32, #tpu.memory_space<vmem>>
    tpu.enqueue_dma source(%dma_start3A_260 : memref<50x128xf32, #tpu.memory_space<vmem>>) target(%dma_start3A_257 : memref<50x128xf32, #tpu.memory_space<hbm>>) target_semaphore(%arg16 : memref<!tpu.dma_semaphore, #tpu.memory_space<semaphore_mem>>)
    %add3A_261 = arith.constant 8 : i32
    %add3A_262 = arith.addi %mul3A_4, %add3A_261 : i32
    %add3A_263 = arith.constant 1 : i32
    %add3A_264 = arith.addi %add3A_262, %add3A_263 : i32
    %dma_start3A_265 = arith.constant 50 : i32
    %dma_start3A_266 = arith.constant 0 : i32
    %dma_start3A_267 = tpu.memref_slice %arg8[%dma_start3A_265, %dma_start3A_266] : memref<200x128xf32, #tpu.memory_space<vmem>> -> memref<50x128xf32, #tpu.memory_space<vmem>>
    %dma_start3A_268 = arith.constant 0 : i32
    %dma_start3A_269 = arith.constant 0 : i32
    %dma_start3A_270 = tpu.memref_slice %arg4[%add3A_264, %dma_start3A_268, %dma_start3A_269] : memref<4096x50x128xf32, #tpu.memory_space<hbm>> -> memref<1x50x128xf32, #tpu.memory_space<hbm>>
    %dma_start3A_271 = tpu.memref_squeeze %dma_start3A_270 : memref<1x50x128xf32, #tpu.memory_space<hbm>> -> memref<50x128xf32, #tpu.memory_space<hbm>>
    %dma_start3A_272 = arith.constant 0 : i32
    %dma_start3A_273 = arith.constant 0 : i32
    %dma_start3A_274 = tpu.memref_slice %arg4[%add3A_264, %dma_start3A_272, %dma_start3A_273] : memref<4096x50x128xf32, #tpu.memory_space<hbm>> -> memref<1x50x128xf32, #tpu.memory_space<hbm>>
    %dma_start3A_275 = tpu.memref_squeeze %dma_start3A_274 : memref<1x50x128xf32, #tpu.memory_space<hbm>> -> memref<50x128xf32, #tpu.memory_space<hbm>>
    %dma_start3A_276 = arith.constant 50 : i32
    %dma_start3A_277 = arith.constant 0 : i32
    %dma_start3A_278 = tpu.memref_slice %arg8[%dma_start3A_276, %dma_start3A_277] : memref<200x128xf32, #tpu.memory_space<vmem>> -> memref<50x128xf32, #tpu.memory_space<vmem>>
    tpu.enqueue_dma source(%dma_start3A_278 : memref<50x128xf32, #tpu.memory_space<vmem>>) target(%dma_start3A_275 : memref<50x128xf32, #tpu.memory_space<hbm>>) target_semaphore(%arg16 : memref<!tpu.dma_semaphore, #tpu.memory_space<semaphore_mem>>)
    %add3A_279 = arith.constant 8 : i32
    %add3A_280 = arith.addi %mul3A_4, %add3A_279 : i32
    %add3A_281 = arith.constant 2 : i32
    %add3A_282 = arith.addi %add3A_280, %add3A_281 : i32
    %dma_start3A_283 = arith.constant 100 : i32
    %dma_start3A_284 = arith.constant 0 : i32
    %dma_start3A_285 = tpu.memref_slice %arg8[%dma_start3A_283, %dma_start3A_284] : memref<200x128xf32, #tpu.memory_space<vmem>> -> memref<50x128xf32, #tpu.memory_space<vmem>>
    %dma_start3A_286 = arith.constant 0 : i32
    %dma_start3A_287 = arith.constant 0 : i32
    %dma_start3A_288 = tpu.memref_slice %arg4[%add3A_282, %dma_start3A_286, %dma_start3A_287] : memref<4096x50x128xf32, #tpu.memory_space<hbm>> -> memref<1x50x128xf32, #tpu.memory_space<hbm>>
    %dma_start3A_289 = tpu.memref_squeeze %dma_start3A_288 : memref<1x50x128xf32, #tpu.memory_space<hbm>> -> memref<50x128xf32, #tpu.memory_space<hbm>>
    %dma_start3A_290 = arith.constant 0 : i32
    %dma_start3A_291 = arith.constant 0 : i32
    %dma_start3A_292 = tpu.memref_slice %arg4[%add3A_282, %dma_start3A_290, %dma_start3A_291] : memref<4096x50x128xf32, #tpu.memory_space<hbm>> -> memref<1x50x128xf32, #tpu.memory_space<hbm>>
    %dma_start3A_293 = tpu.memref_squeeze %dma_start3A_292 : memref<1x50x128xf32, #tpu.memory_space<hbm>> -> memref<50x128xf32, #tpu.memory_space<hbm>>
    %dma_start3A_294 = arith.constant 100 : i32
    %dma_start3A_295 = arith.constant 0 : i32
    %dma_start3A_296 = tpu.memref_slice %arg8[%dma_start3A_294, %dma_start3A_295] : memref<200x128xf32, #tpu.memory_space<vmem>> -> memref<50x128xf32, #tpu.memory_space<vmem>>
    tpu.enqueue_dma source(%dma_start3A_296 : memref<50x128xf32, #tpu.memory_space<vmem>>) target(%dma_start3A_293 : memref<50x128xf32, #tpu.memory_space<hbm>>) target_semaphore(%arg16 : memref<!tpu.dma_semaphore, #tpu.memory_space<semaphore_mem>>)
    %add3A_297 = arith.constant 8 : i32
    %add3A_298 = arith.addi %mul3A_4, %add3A_297 : i32
    %add3A_299 = arith.constant 3 : i32
    %add3A_300 = arith.addi %add3A_298, %add3A_299 : i32
    %dma_start3A_301 = arith.constant 150 : i32
    %dma_start3A_302 = arith.constant 0 : i32
    %dma_start3A_303 = tpu.memref_slice %arg8[%dma_start3A_301, %dma_start3A_302] : memref<200x128xf32, #tpu.memory_space<vmem>> -> memref<50x128xf32, #tpu.memory_space<vmem>>
    %dma_start3A_304 = arith.constant 0 : i32
    %dma_start3A_305 = arith.constant 0 : i32
    %dma_start3A_306 = tpu.memref_slice %arg4[%add3A_300, %dma_start3A_304, %dma_start3A_305] : memref<4096x50x128xf32, #tpu.memory_space<hbm>> -> memref<1x50x128xf32, #tpu.memory_space<hbm>>
    %dma_start3A_307 = tpu.memref_squeeze %dma_start3A_306 : memref<1x50x128xf32, #tpu.memory_space<hbm>> -> memref<50x128xf32, #tpu.memory_space<hbm>>
    %dma_start3A_308 = arith.constant 0 : i32
    %dma_start3A_309 = arith.constant 0 : i32
    %dma_start3A_310 = tpu.memref_slice %arg4[%add3A_300, %dma_start3A_308, %dma_start3A_309] : memref<4096x50x128xf32, #tpu.memory_space<hbm>> -> memref<1x50x128xf32, #tpu.memory_space<hbm>>
    %dma_start3A_311 = tpu.memref_squeeze %dma_start3A_310 : memref<1x50x128xf32, #tpu.memory_space<hbm>> -> memref<50x128xf32, #tpu.memory_space<hbm>>
    %dma_start3A_312 = arith.constant 150 : i32
    %dma_start3A_313 = arith.constant 0 : i32
    %dma_start3A_314 = tpu.memref_slice %arg8[%dma_start3A_312, %dma_start3A_313] : memref<200x128xf32, #tpu.memory_space<vmem>> -> memref<50x128xf32, #tpu.memory_space<vmem>>
    tpu.enqueue_dma source(%dma_start3A_314 : memref<50x128xf32, #tpu.memory_space<vmem>>) target(%dma_start3A_311 : memref<50x128xf32, #tpu.memory_space<hbm>>) target_semaphore(%arg16 : memref<!tpu.dma_semaphore, #tpu.memory_space<semaphore_mem>>)
    %dma_wait3A_315 = arith.constant 0 : i32
    %dma_wait3A_316 = arith.constant 0 : i32
    %dma_wait3A_317 = tpu.memref_slice %arg7[%dma_wait3A_315, %dma_wait3A_316] : memref<200x128xf32, #tpu.memory_space<vmem>> -> memref<50x128xf32, #tpu.memory_space<vmem>>
    %dma_wait3A_318 = arith.constant 0 : i32
    %dma_wait3A_319 = arith.constant 0 : i32
    %dma_wait3A_320 = tpu.memref_slice %arg4[%mul3A_4, %dma_wait3A_318, %dma_wait3A_319] : memref<4096x50x128xf32, #tpu.memory_space<hbm>> -> memref<1x50x128xf32, #tpu.memory_space<hbm>>
    %dma_wait3A_321 = tpu.memref_squeeze %dma_wait3A_320 : memref<1x50x128xf32, #tpu.memory_space<hbm>> -> memref<50x128xf32, #tpu.memory_space<hbm>>
    %dma_wait3A_322 = arith.constant 0 : i32
    %dma_wait3A_323 = arith.constant 0 : i32
    %dma_wait3A_324 = tpu.memref_slice %arg4[%mul3A_4, %dma_wait3A_322, %dma_wait3A_323] : memref<4096x50x128xf32, #tpu.memory_space<hbm>> -> memref<1x50x128xf32, #tpu.memory_space<hbm>>
    %dma_wait3A_325 = tpu.memref_squeeze %dma_wait3A_324 : memref<1x50x128xf32, #tpu.memory_space<hbm>> -> memref<50x128xf32, #tpu.memory_space<hbm>>
    %dma_wait3A_326 = arith.constant 0 : i32
    %dma_wait3A_327 = arith.constant 0 : i32
    %dma_wait3A_328 = tpu.memref_slice %arg7[%dma_wait3A_326, %dma_wait3A_327] : memref<200x128xf32, #tpu.memory_space<vmem>> -> memref<50x128xf32, #tpu.memory_space<vmem>>
    tpu.wait_dma2 semaphore(%arg15 : memref<!tpu.dma_semaphore, #tpu.memory_space<semaphore_mem>>) src(%dma_wait3A_328 : memref<50x128xf32, #tpu.memory_space<vmem>>) dst(%dma_wait3A_325 : memref<50x128xf32, #tpu.memory_space<hbm>>)
    %dma_wait3A_329 = arith.constant 0 : i32
    %dma_wait3A_330 = arith.constant 0 : i32
    %dma_wait3A_331 = tpu.memref_slice %arg7[%dma_wait3A_329, %dma_wait3A_330] : memref<200x128xf32, #tpu.memory_space<vmem>> -> memref<50x128xf32, #tpu.memory_space<vmem>>
    %dma_wait3A_332 = arith.constant 0 : i32
    %dma_wait3A_333 = arith.constant 0 : i32
    %dma_wait3A_334 = tpu.memref_slice %arg4[%mul3A_4, %dma_wait3A_332, %dma_wait3A_333] : memref<4096x50x128xf32, #tpu.memory_space<hbm>> -> memref<1x50x128xf32, #tpu.memory_space<hbm>>
    %dma_wait3A_335 = tpu.memref_squeeze %dma_wait3A_334 : memref<1x50x128xf32, #tpu.memory_space<hbm>> -> memref<50x128xf32, #tpu.memory_space<hbm>>
    %dma_wait3A_336 = arith.constant 0 : i32
    %dma_wait3A_337 = arith.constant 0 : i32
    %dma_wait3A_338 = tpu.memref_slice %arg4[%mul3A_4, %dma_wait3A_336, %dma_wait3A_337] : memref<4096x50x128xf32, #tpu.memory_space<hbm>> -> memref<1x50x128xf32, #tpu.memory_space<hbm>>
    %dma_wait3A_339 = tpu.memref_squeeze %dma_wait3A_338 : memref<1x50x128xf32, #tpu.memory_space<hbm>> -> memref<50x128xf32, #tpu.memory_space<hbm>>
    %dma_wait3A_340 = arith.constant 0 : i32
    %dma_wait3A_341 = arith.constant 0 : i32
    %dma_wait3A_342 = tpu.memref_slice %arg7[%dma_wait3A_340, %dma_wait3A_341] : memref<200x128xf32, #tpu.memory_space<vmem>> -> memref<50x128xf32, #tpu.memory_space<vmem>>
    tpu.wait_dma2 semaphore(%arg15 : memref<!tpu.dma_semaphore, #tpu.memory_space<semaphore_mem>>) src(%dma_wait3A_342 : memref<50x128xf32, #tpu.memory_space<vmem>>) dst(%dma_wait3A_339 : memref<50x128xf32, #tpu.memory_space<hbm>>)
    %dma_wait3A_343 = arith.constant 0 : i32
    %dma_wait3A_344 = arith.constant 0 : i32
    %dma_wait3A_345 = tpu.memref_slice %arg7[%dma_wait3A_343, %dma_wait3A_344] : memref<200x128xf32, #tpu.memory_space<vmem>> -> memref<50x128xf32, #tpu.memory_space<vmem>>
    %dma_wait3A_346 = arith.constant 0 : i32
    %dma_wait3A_347 = arith.constant 0 : i32
    %dma_wait3A_348 = tpu.memref_slice %arg4[%mul3A_4, %dma_wait3A_346, %dma_wait3A_347] : memref<4096x50x128xf32, #tpu.memory_space<hbm>> -> memref<1x50x128xf32, #tpu.memory_space<hbm>>
    %dma_wait3A_349 = tpu.memref_squeeze %dma_wait3A_348 : memref<1x50x128xf32, #tpu.memory_space<hbm>> -> memref<50x128xf32, #tpu.memory_space<hbm>>
    %dma_wait3A_350 = arith.constant 0 : i32
    %dma_wait3A_351 = arith.constant 0 : i32
    %dma_wait3A_352 = tpu.memref_slice %arg4[%mul3A_4, %dma_wait3A_350, %dma_wait3A_351] : memref<4096x50x128xf32, #tpu.memory_space<hbm>> -> memref<1x50x128xf32, #tpu.memory_space<hbm>>
    %dma_wait3A_353 = tpu.memref_squeeze %dma_wait3A_352 : memref<1x50x128xf32, #tpu.memory_space<hbm>> -> memref<50x128xf32, #tpu.memory_space<hbm>>
    %dma_wait3A_354 = arith.constant 0 : i32
    %dma_wait3A_355 = arith.constant 0 : i32
    %dma_wait3A_356 = tpu.memref_slice %arg7[%dma_wait3A_354, %dma_wait3A_355] : memref<200x128xf32, #tpu.memory_space<vmem>> -> memref<50x128xf32, #tpu.memory_space<vmem>>
    tpu.wait_dma2 semaphore(%arg15 : memref<!tpu.dma_semaphore, #tpu.memory_space<semaphore_mem>>) src(%dma_wait3A_356 : memref<50x128xf32, #tpu.memory_space<vmem>>) dst(%dma_wait3A_353 : memref<50x128xf32, #tpu.memory_space<hbm>>)
    %dma_wait3A_357 = arith.constant 0 : i32
    %dma_wait3A_358 = arith.constant 0 : i32
    %dma_wait3A_359 = tpu.memref_slice %arg7[%dma_wait3A_357, %dma_wait3A_358] : memref<200x128xf32, #tpu.memory_space<vmem>> -> memref<50x128xf32, #tpu.memory_space<vmem>>
    %dma_wait3A_360 = arith.constant 0 : i32
    %dma_wait3A_361 = arith.constant 0 : i32
    %dma_wait3A_362 = tpu.memref_slice %arg4[%mul3A_4, %dma_wait3A_360, %dma_wait3A_361] : memref<4096x50x128xf32, #tpu.memory_space<hbm>> -> memref<1x50x128xf32, #tpu.memory_space<hbm>>
    %dma_wait3A_363 = tpu.memref_squeeze %dma_wait3A_362 : memref<1x50x128xf32, #tpu.memory_space<hbm>> -> memref<50x128xf32, #tpu.memory_space<hbm>>
    %dma_wait3A_364 = arith.constant 0 : i32
    %dma_wait3A_365 = arith.constant 0 : i32
    %dma_wait3A_366 = tpu.memref_slice %arg4[%mul3A_4, %dma_wait3A_364, %dma_wait3A_365] : memref<4096x50x128xf32, #tpu.memory_space<hbm>> -> memref<1x50x128xf32, #tpu.memory_space<hbm>>
    %dma_wait3A_367 = tpu.memref_squeeze %dma_wait3A_366 : memref<1x50x128xf32, #tpu.memory_space<hbm>> -> memref<50x128xf32, #tpu.memory_space<hbm>>
    %dma_wait3A_368 = arith.constant 0 : i32
    %dma_wait3A_369 = arith.constant 0 : i32
    %dma_wait3A_370 = tpu.memref_slice %arg7[%dma_wait3A_368, %dma_wait3A_369] : memref<200x128xf32, #tpu.memory_space<vmem>> -> memref<50x128xf32, #tpu.memory_space<vmem>>
    tpu.wait_dma2 semaphore(%arg15 : memref<!tpu.dma_semaphore, #tpu.memory_space<semaphore_mem>>) src(%dma_wait3A_370 : memref<50x128xf32, #tpu.memory_space<vmem>>) dst(%dma_wait3A_367 : memref<50x128xf32, #tpu.memory_space<hbm>>)
    %dma_start3A_371 = arith.constant 1000 : i32
    %dma_start3A_372 = tpu.memref_slice %arg5[%dma_start3A_371] : memref<6400xi32, #tpu.memory_space<vmem>> -> memref<200xi32, #tpu.memory_space<vmem>>
    %dma_start3A_373 = arith.constant 0 : i32
    %dma_start3A_374 = arith.constant 0 : i32
    %dma_start3A_375 = tpu.memref_slice %arg3[%dma_start3A_373, %dma_start3A_374] : memref<100000x128xf32, #tpu.memory_space<hbm>> -> memref<100000x128xf32, #tpu.memory_space<hbm>>
    tpu.enqueue_indirect_dma source(%dma_start3A_375 : memref<100000x128xf32, #tpu.memory_space<hbm>>) target(%arg7 : memref<200x128xf32, #tpu.memory_space<vmem>>) offsets(%dma_start3A_372 : memref<200xi32, #tpu.memory_space<vmem>>) semaphore(%arg11 : memref<!tpu.dma_semaphore, #tpu.memory_space<semaphore_mem>>)
    %dma_wait3A_376 = arith.constant 0 : i32
    %dma_wait3A_377 = tpu.memref_slice %arg5[%dma_wait3A_376] : memref<6400xi32, #tpu.memory_space<vmem>> -> memref<200xi32, #tpu.memory_space<vmem>>
    %dma_wait3A_378 = arith.constant 0 : i32
    %dma_wait3A_379 = arith.constant 0 : i32
    %dma_wait3A_380 = tpu.memref_slice %arg3[%dma_wait3A_378, %dma_wait3A_379] : memref<100000x128xf32, #tpu.memory_space<hbm>> -> memref<100000x128xf32, #tpu.memory_space<hbm>>
    tpu.wait_indirect_dma semaphore(%arg13 : memref<!tpu.dma_semaphore, #tpu.memory_space<semaphore_mem>>) src(%dma_wait3A_380 : memref<100000x128xf32, #tpu.memory_space<hbm>>) dst(%arg9 : memref<200x128xf32, #tpu.memory_space<vmem>>)
    %add3A_381 = arith.constant 12 : i32
    %add3A_382 = arith.addi %mul3A_4, %add3A_381 : i32
    %add3A_383 = arith.constant 0 : i32
    %add3A_384 = arith.addi %add3A_382, %add3A_383 : i32
    %dma_start3A_385 = arith.constant 0 : i32
    %dma_start3A_386 = arith.constant 0 : i32
    %dma_start3A_387 = tpu.memref_slice %arg9[%dma_start3A_385, %dma_start3A_386] : memref<200x128xf32, #tpu.memory_space<vmem>> -> memref<50x128xf32, #tpu.memory_space<vmem>>
    %dma_start3A_388 = arith.constant 0 : i32
    %dma_start3A_389 = arith.constant 0 : i32
    %dma_start3A_390 = tpu.memref_slice %arg4[%add3A_384, %dma_start3A_388, %dma_start3A_389] : memref<4096x50x128xf32, #tpu.memory_space<hbm>> -> memref<1x50x128xf32, #tpu.memory_space<hbm>>
    %dma_start3A_391 = tpu.memref_squeeze %dma_start3A_390 : memref<1x50x128xf32, #tpu.memory_space<hbm>> -> memref<50x128xf32, #tpu.memory_space<hbm>>
    %dma_start3A_392 = arith.constant 0 : i32
    %dma_start3A_393 = arith.constant 0 : i32
    %dma_start3A_394 = tpu.memref_slice %arg4[%add3A_384, %dma_start3A_392, %dma_start3A_393] : memref<4096x50x128xf32, #tpu.memory_space<hbm>> -> memref<1x50x128xf32, #tpu.memory_space<hbm>>
    %dma_start3A_395 = tpu.memref_squeeze %dma_start3A_394 : memref<1x50x128xf32, #tpu.memory_space<hbm>> -> memref<50x128xf32, #tpu.memory_space<hbm>>
    %dma_start3A_396 = arith.constant 0 : i32
    %dma_start3A_397 = arith.constant 0 : i32
    %dma_start3A_398 = tpu.memref_slice %arg9[%dma_start3A_396, %dma_start3A_397] : memref<200x128xf32, #tpu.memory_space<vmem>> -> memref<50x128xf32, #tpu.memory_space<vmem>>
    tpu.enqueue_dma source(%dma_start3A_398 : memref<50x128xf32, #tpu.memory_space<vmem>>) target(%dma_start3A_395 : memref<50x128xf32, #tpu.memory_space<hbm>>) target_semaphore(%arg17 : memref<!tpu.dma_semaphore, #tpu.memory_space<semaphore_mem>>)
    %add3A_399 = arith.constant 12 : i32
    %add3A_400 = arith.addi %mul3A_4, %add3A_399 : i32
    %add3A_401 = arith.constant 1 : i32
    %add3A_402 = arith.addi %add3A_400, %add3A_401 : i32
    %dma_start3A_403 = arith.constant 50 : i32
    %dma_start3A_404 = arith.constant 0 : i32
    %dma_start3A_405 = tpu.memref_slice %arg9[%dma_start3A_403, %dma_start3A_404] : memref<200x128xf32, #tpu.memory_space<vmem>> -> memref<50x128xf32, #tpu.memory_space<vmem>>
    %dma_start3A_406 = arith.constant 0 : i32
    %dma_start3A_407 = arith.constant 0 : i32
    %dma_start3A_408 = tpu.memref_slice %arg4[%add3A_402, %dma_start3A_406, %dma_start3A_407] : memref<4096x50x128xf32, #tpu.memory_space<hbm>> -> memref<1x50x128xf32, #tpu.memory_space<hbm>>
    %dma_start3A_409 = tpu.memref_squeeze %dma_start3A_408 : memref<1x50x128xf32, #tpu.memory_space<hbm>> -> memref<50x128xf32, #tpu.memory_space<hbm>>
    %dma_start3A_410 = arith.constant 0 : i32
    %dma_start3A_411 = arith.constant 0 : i32
    %dma_start3A_412 = tpu.memref_slice %arg4[%add3A_402, %dma_start3A_410, %dma_start3A_411] : memref<4096x50x128xf32, #tpu.memory_space<hbm>> -> memref<1x50x128xf32, #tpu.memory_space<hbm>>
    %dma_start3A_413 = tpu.memref_squeeze %dma_start3A_412 : memref<1x50x128xf32, #tpu.memory_space<hbm>> -> memref<50x128xf32, #tpu.memory_space<hbm>>
    %dma_start3A_414 = arith.constant 50 : i32
    %dma_start3A_415 = arith.constant 0 : i32
    %dma_start3A_416 = tpu.memref_slice %arg9[%dma_start3A_414, %dma_start3A_415] : memref<200x128xf32, #tpu.memory_space<vmem>> -> memref<50x128xf32, #tpu.memory_space<vmem>>
    tpu.enqueue_dma source(%dma_start3A_416 : memref<50x128xf32, #tpu.memory_space<vmem>>) target(%dma_start3A_413 : memref<50x128xf32, #tpu.memory_space<hbm>>) target_semaphore(%arg17 : memref<!tpu.dma_semaphore, #tpu.memory_space<semaphore_mem>>)
    %add3A_417 = arith.constant 12 : i32
    %add3A_418 = arith.addi %mul3A_4, %add3A_417 : i32
    %add3A_419 = arith.constant 2 : i32
    %add3A_420 = arith.addi %add3A_418, %add3A_419 : i32
    %dma_start3A_421 = arith.constant 100 : i32
    %dma_start3A_422 = arith.constant 0 : i32
    %dma_start3A_423 = tpu.memref_slice %arg9[%dma_start3A_421, %dma_start3A_422] : memref<200x128xf32, #tpu.memory_space<vmem>> -> memref<50x128xf32, #tpu.memory_space<vmem>>
    %dma_start3A_424 = arith.constant 0 : i32
    %dma_start3A_425 = arith.constant 0 : i32
    %dma_start3A_426 = tpu.memref_slice %arg4[%add3A_420, %dma_start3A_424, %dma_start3A_425] : memref<4096x50x128xf32, #tpu.memory_space<hbm>> -> memref<1x50x128xf32, #tpu.memory_space<hbm>>
    %dma_start3A_427 = tpu.memref_squeeze %dma_start3A_426 : memref<1x50x128xf32, #tpu.memory_space<hbm>> -> memref<50x128xf32, #tpu.memory_space<hbm>>
    %dma_start3A_428 = arith.constant 0 : i32
    %dma_start3A_429 = arith.constant 0 : i32
    %dma_start3A_430 = tpu.memref_slice %arg4[%add3A_420, %dma_start3A_428, %dma_start3A_429] : memref<4096x50x128xf32, #tpu.memory_space<hbm>> -> memref<1x50x128xf32, #tpu.memory_space<hbm>>
    %dma_start3A_431 = tpu.memref_squeeze %dma_start3A_430 : memref<1x50x128xf32, #tpu.memory_space<hbm>> -> memref<50x128xf32, #tpu.memory_space<hbm>>
    %dma_start3A_432 = arith.constant 100 : i32
    %dma_start3A_433 = arith.constant 0 : i32
    %dma_start3A_434 = tpu.memref_slice %arg9[%dma_start3A_432, %dma_start3A_433] : memref<200x128xf32, #tpu.memory_space<vmem>> -> memref<50x128xf32, #tpu.memory_space<vmem>>
    tpu.enqueue_dma source(%dma_start3A_434 : memref<50x128xf32, #tpu.memory_space<vmem>>) target(%dma_start3A_431 : memref<50x128xf32, #tpu.memory_space<hbm>>) target_semaphore(%arg17 : memref<!tpu.dma_semaphore, #tpu.memory_space<semaphore_mem>>)
    %add3A_435 = arith.constant 12 : i32
    %add3A_436 = arith.addi %mul3A_4, %add3A_435 : i32
    %add3A_437 = arith.constant 3 : i32
    %add3A_438 = arith.addi %add3A_436, %add3A_437 : i32
    %dma_start3A_439 = arith.constant 150 : i32
    %dma_start3A_440 = arith.constant 0 : i32
    %dma_start3A_441 = tpu.memref_slice %arg9[%dma_start3A_439, %dma_start3A_440] : memref<200x128xf32, #tpu.memory_space<vmem>> -> memref<50x128xf32, #tpu.memory_space<vmem>>
    %dma_start3A_442 = arith.constant 0 : i32
    %dma_start3A_443 = arith.constant 0 : i32
    %dma_start3A_444 = tpu.memref_slice %arg4[%add3A_438, %dma_start3A_442, %dma_start3A_443] : memref<4096x50x128xf32, #tpu.memory_space<hbm>> -> memref<1x50x128xf32, #tpu.memory_space<hbm>>
    %dma_start3A_445 = tpu.memref_squeeze %dma_start3A_444 : memref<1x50x128xf32, #tpu.memory_space<hbm>> -> memref<50x128xf32, #tpu.memory_space<hbm>>
    %dma_start3A_446 = arith.constant 0 : i32
    %dma_start3A_447 = arith.constant 0 : i32
    %dma_start3A_448 = tpu.memref_slice %arg4[%add3A_438, %dma_start3A_446, %dma_start3A_447] : memref<4096x50x128xf32, #tpu.memory_space<hbm>> -> memref<1x50x128xf32, #tpu.memory_space<hbm>>
    %dma_start3A_449 = tpu.memref_squeeze %dma_start3A_448 : memref<1x50x128xf32, #tpu.memory_space<hbm>> -> memref<50x128xf32, #tpu.memory_space<hbm>>
    %dma_start3A_450 = arith.constant 150 : i32
    %dma_start3A_451 = arith.constant 0 : i32
    %dma_start3A_452 = tpu.memref_slice %arg9[%dma_start3A_450, %dma_start3A_451] : memref<200x128xf32, #tpu.memory_space<vmem>> -> memref<50x128xf32, #tpu.memory_space<vmem>>
    tpu.enqueue_dma source(%dma_start3A_452 : memref<50x128xf32, #tpu.memory_space<vmem>>) target(%dma_start3A_449 : memref<50x128xf32, #tpu.memory_space<hbm>>) target_semaphore(%arg17 : memref<!tpu.dma_semaphore, #tpu.memory_space<semaphore_mem>>)
    %dma_wait3A_453 = arith.constant 0 : i32
    %dma_wait3A_454 = arith.constant 0 : i32
    %dma_wait3A_455 = tpu.memref_slice %arg8[%dma_wait3A_453, %dma_wait3A_454] : memref<200x128xf32, #tpu.memory_space<vmem>> -> memref<50x128xf32, #tpu.memory_space<vmem>>
    %dma_wait3A_456 = arith.constant 0 : i32
    %dma_wait3A_457 = arith.constant 0 : i32
    %dma_wait3A_458 = tpu.memref_slice %arg4[%mul3A_4, %dma_wait3A_456, %dma_wait3A_457] : memref<4096x50x128xf32, #tpu.memory_space<hbm>> -> memref<1x50x128xf32, #tpu.memory_space<hbm>>
    %dma_wait3A_459 = tpu.memref_squeeze %dma_wait3A_458 : memref<1x50x128xf32, #tpu.memory_space<hbm>> -> memref<50x128xf32, #tpu.memory_space<hbm>>
    %dma_wait3A_460 = arith.constant 0 : i32
    %dma_wait3A_461 = arith.constant 0 : i32
    %dma_wait3A_462 = tpu.memref_slice %arg4[%mul3A_4, %dma_wait3A_460, %dma_wait3A_461] : memref<4096x50x128xf32, #tpu.memory_space<hbm>> -> memref<1x50x128xf32, #tpu.memory_space<hbm>>
    %dma_wait3A_463 = tpu.memref_squeeze %dma_wait3A_462 : memref<1x50x128xf32, #tpu.memory_space<hbm>> -> memref<50x128xf32, #tpu.memory_space<hbm>>
    %dma_wait3A_464 = arith.constant 0 : i32
    %dma_wait3A_465 = arith.constant 0 : i32
    %dma_wait3A_466 = tpu.memref_slice %arg8[%dma_wait3A_464, %dma_wait3A_465] : memref<200x128xf32, #tpu.memory_space<vmem>> -> memref<50x128xf32, #tpu.memory_space<vmem>>
    tpu.wait_dma2 semaphore(%arg16 : memref<!tpu.dma_semaphore, #tpu.memory_space<semaphore_mem>>) src(%dma_wait3A_466 : memref<50x128xf32, #tpu.memory_space<vmem>>) dst(%dma_wait3A_463 : memref<50x128xf32, #tpu.memory_space<hbm>>)
    %dma_wait3A_467 = arith.constant 0 : i32
    %dma_wait3A_468 = arith.constant 0 : i32
    %dma_wait3A_469 = tpu.memref_slice %arg8[%dma_wait3A_467, %dma_wait3A_468] : memref<200x128xf32, #tpu.memory_space<vmem>> -> memref<50x128xf32, #tpu.memory_space<vmem>>
    %dma_wait3A_470 = arith.constant 0 : i32
    %dma_wait3A_471 = arith.constant 0 : i32
    %dma_wait3A_472 = tpu.memref_slice %arg4[%mul3A_4, %dma_wait3A_470, %dma_wait3A_471] : memref<4096x50x128xf32, #tpu.memory_space<hbm>> -> memref<1x50x128xf32, #tpu.memory_space<hbm>>
    %dma_wait3A_473 = tpu.memref_squeeze %dma_wait3A_472 : memref<1x50x128xf32, #tpu.memory_space<hbm>> -> memref<50x128xf32, #tpu.memory_space<hbm>>
    %dma_wait3A_474 = arith.constant 0 : i32
    %dma_wait3A_475 = arith.constant 0 : i32
    %dma_wait3A_476 = tpu.memref_slice %arg4[%mul3A_4, %dma_wait3A_474, %dma_wait3A_475] : memref<4096x50x128xf32, #tpu.memory_space<hbm>> -> memref<1x50x128xf32, #tpu.memory_space<hbm>>
    %dma_wait3A_477 = tpu.memref_squeeze %dma_wait3A_476 : memref<1x50x128xf32, #tpu.memory_space<hbm>> -> memref<50x128xf32, #tpu.memory_space<hbm>>
    %dma_wait3A_478 = arith.constant 0 : i32
    %dma_wait3A_479 = arith.constant 0 : i32
    %dma_wait3A_480 = tpu.memref_slice %arg8[%dma_wait3A_478, %dma_wait3A_479] : memref<200x128xf32, #tpu.memory_space<vmem>> -> memref<50x128xf32, #tpu.memory_space<vmem>>
    tpu.wait_dma2 semaphore(%arg16 : memref<!tpu.dma_semaphore, #tpu.memory_space<semaphore_mem>>) src(%dma_wait3A_480 : memref<50x128xf32, #tpu.memory_space<vmem>>) dst(%dma_wait3A_477 : memref<50x128xf32, #tpu.memory_space<hbm>>)
    %dma_wait3A_481 = arith.constant 0 : i32
    %dma_wait3A_482 = arith.constant 0 : i32
    %dma_wait3A_483 = tpu.memref_slice %arg8[%dma_wait3A_481, %dma_wait3A_482] : memref<200x128xf32, #tpu.memory_space<vmem>> -> memref<50x128xf32, #tpu.memory_space<vmem>>
    %dma_wait3A_484 = arith.constant 0 : i32
    %dma_wait3A_485 = arith.constant 0 : i32
    %dma_wait3A_486 = tpu.memref_slice %arg4[%mul3A_4, %dma_wait3A_484, %dma_wait3A_485] : memref<4096x50x128xf32, #tpu.memory_space<hbm>> -> memref<1x50x128xf32, #tpu.memory_space<hbm>>
    %dma_wait3A_487 = tpu.memref_squeeze %dma_wait3A_486 : memref<1x50x128xf32, #tpu.memory_space<hbm>> -> memref<50x128xf32, #tpu.memory_space<hbm>>
    %dma_wait3A_488 = arith.constant 0 : i32
    %dma_wait3A_489 = arith.constant 0 : i32
    %dma_wait3A_490 = tpu.memref_slice %arg4[%mul3A_4, %dma_wait3A_488, %dma_wait3A_489] : memref<4096x50x128xf32, #tpu.memory_space<hbm>> -> memref<1x50x128xf32, #tpu.memory_space<hbm>>
    %dma_wait3A_491 = tpu.memref_squeeze %dma_wait3A_490 : memref<1x50x128xf32, #tpu.memory_space<hbm>> -> memref<50x128xf32, #tpu.memory_space<hbm>>
    %dma_wait3A_492 = arith.constant 0 : i32
    %dma_wait3A_493 = arith.constant 0 : i32
    %dma_wait3A_494 = tpu.memref_slice %arg8[%dma_wait3A_492, %dma_wait3A_493] : memref<200x128xf32, #tpu.memory_space<vmem>> -> memref<50x128xf32, #tpu.memory_space<vmem>>
    tpu.wait_dma2 semaphore(%arg16 : memref<!tpu.dma_semaphore, #tpu.memory_space<semaphore_mem>>) src(%dma_wait3A_494 : memref<50x128xf32, #tpu.memory_space<vmem>>) dst(%dma_wait3A_491 : memref<50x128xf32, #tpu.memory_space<hbm>>)
    %dma_wait3A_495 = arith.constant 0 : i32
    %dma_wait3A_496 = arith.constant 0 : i32
    %dma_wait3A_497 = tpu.memref_slice %arg8[%dma_wait3A_495, %dma_wait3A_496] : memref<200x128xf32, #tpu.memory_space<vmem>> -> memref<50x128xf32, #tpu.memory_space<vmem>>
    %dma_wait3A_498 = arith.constant 0 : i32
    %dma_wait3A_499 = arith.constant 0 : i32
    %dma_wait3A_500 = tpu.memref_slice %arg4[%mul3A_4, %dma_wait3A_498, %dma_wait3A_499] : memref<4096x50x128xf32, #tpu.memory_space<hbm>> -> memref<1x50x128xf32, #tpu.memory_space<hbm>>
    %dma_wait3A_501 = tpu.memref_squeeze %dma_wait3A_500 : memref<1x50x128xf32, #tpu.memory_space<hbm>> -> memref<50x128xf32, #tpu.memory_space<hbm>>
    %dma_wait3A_502 = arith.constant 0 : i32
    %dma_wait3A_503 = arith.constant 0 : i32
    %dma_wait3A_504 = tpu.memref_slice %arg4[%mul3A_4, %dma_wait3A_502, %dma_wait3A_503] : memref<4096x50x128xf32, #tpu.memory_space<hbm>> -> memref<1x50x128xf32, #tpu.memory_space<hbm>>
    %dma_wait3A_505 = tpu.memref_squeeze %dma_wait3A_504 : memref<1x50x128xf32, #tpu.memory_space<hbm>> -> memref<50x128xf32, #tpu.memory_space<hbm>>
    %dma_wait3A_506 = arith.constant 0 : i32
    %dma_wait3A_507 = arith.constant 0 : i32
    %dma_wait3A_508 = tpu.memref_slice %arg8[%dma_wait3A_506, %dma_wait3A_507] : memref<200x128xf32, #tpu.memory_space<vmem>> -> memref<50x128xf32, #tpu.memory_space<vmem>>
    tpu.wait_dma2 semaphore(%arg16 : memref<!tpu.dma_semaphore, #tpu.memory_space<semaphore_mem>>) src(%dma_wait3A_508 : memref<50x128xf32, #tpu.memory_space<vmem>>) dst(%dma_wait3A_505 : memref<50x128xf32, #tpu.memory_space<hbm>>)
    %dma_start3A_509 = arith.constant 1200 : i32
    %dma_start3A_510 = tpu.memref_slice %arg5[%dma_start3A_509] : memref<6400xi32, #tpu.memory_space<vmem>> -> memref<200xi32, #tpu.memory_space<vmem>>
    %dma_start3A_511 = arith.constant 0 : i32
    %dma_start3A_512 = arith.constant 0 : i32
    %dma_start3A_513 = tpu.memref_slice %arg3[%dma_start3A_511, %dma_start3A_512] : memref<100000x128xf32, #tpu.memory_space<hbm>> -> memref<100000x128xf32, #tpu.memory_space<hbm>>
    tpu.enqueue_indirect_dma source(%dma_start3A_513 : memref<100000x128xf32, #tpu.memory_space<hbm>>) target(%arg8 : memref<200x128xf32, #tpu.memory_space<vmem>>) offsets(%dma_start3A_510 : memref<200xi32, #tpu.memory_space<vmem>>) semaphore(%arg12 : memref<!tpu.dma_semaphore, #tpu.memory_space<semaphore_mem>>)
    %scan3A = arith.constant 0 : i32
    %scan3A_514 = arith.constant 1 : i32
    %scan3A_515 = arith.constant 7 : i32
    %scan3A_516 = arith.addi %scan3A_514, %scan3A_515 : i32
    %scan3A_517 = arith.constant 1 : i32
    scf.for %scan3A_743 = %scan3A_514 to %scan3A_516 step %scan3A_517  : i32 {
      %mul3A_744 = arith.constant 4 : i32
      %mul3A_745 = arith.muli %scan3A_743, %mul3A_744 : i32
      %add3A_746 = arith.constant 0 : i32
      %add3A_747 = arith.addi %mul3A_745, %add3A_746 : i32
      %dma_wait3A_748 = arith.constant 0 : i32
      %dma_wait3A_749 = tpu.memref_slice %arg5[%dma_wait3A_748] : memref<6400xi32, #tpu.memory_space<vmem>> -> memref<200xi32, #tpu.memory_space<vmem>>
      %dma_wait3A_750 = arith.constant 0 : i32
      %dma_wait3A_751 = arith.constant 0 : i32
      %dma_wait3A_752 = tpu.memref_slice %arg3[%dma_wait3A_750, %dma_wait3A_751] : memref<100000x128xf32, #tpu.memory_space<hbm>> -> memref<100000x128xf32, #tpu.memory_space<hbm>>
      tpu.wait_indirect_dma semaphore(%arg10 : memref<!tpu.dma_semaphore, #tpu.memory_space<semaphore_mem>>) src(%dma_wait3A_752 : memref<100000x128xf32, #tpu.memory_space<hbm>>) dst(%arg6 : memref<200x128xf32, #tpu.memory_space<vmem>>)
      %mul3A_753 = arith.constant 4 : i32
      %mul3A_754 = arith.muli %add3A_747, %mul3A_753 : i32
      %add3A_755 = arith.addi %mul3A_4, %mul3A_754 : i32
      %add3A_756 = arith.constant 0 : i32
      %add3A_757 = arith.addi %add3A_755, %add3A_756 : i32
      %dma_start3A_758 = arith.constant 0 : i32
      %dma_start3A_759 = arith.constant 0 : i32
      %dma_start3A_760 = tpu.memref_slice %arg6[%dma_start3A_758, %dma_start3A_759] : memref<200x128xf32, #tpu.memory_space<vmem>> -> memref<50x128xf32, #tpu.memory_space<vmem>>
      %dma_start3A_761 = arith.constant 0 : i32
      %dma_start3A_762 = arith.constant 0 : i32
      %dma_start3A_763 = tpu.memref_slice %arg4[%add3A_757, %dma_start3A_761, %dma_start3A_762] : memref<4096x50x128xf32, #tpu.memory_space<hbm>> -> memref<1x50x128xf32, #tpu.memory_space<hbm>>
      %dma_start3A_764 = tpu.memref_squeeze %dma_start3A_763 : memref<1x50x128xf32, #tpu.memory_space<hbm>> -> memref<50x128xf32, #tpu.memory_space<hbm>>
      %dma_start3A_765 = arith.constant 0 : i32
      %dma_start3A_766 = arith.constant 0 : i32
      %dma_start3A_767 = tpu.memref_slice %arg4[%add3A_757, %dma_start3A_765, %dma_start3A_766] : memref<4096x50x128xf32, #tpu.memory_space<hbm>> -> memref<1x50x128xf32, #tpu.memory_space<hbm>>
      %dma_start3A_768 = tpu.memref_squeeze %dma_start3A_767 : memref<1x50x128xf32, #tpu.memory_space<hbm>> -> memref<50x128xf32, #tpu.memory_space<hbm>>
      %dma_start3A_769 = arith.constant 0 : i32
      %dma_start3A_770 = arith.constant 0 : i32
      %dma_start3A_771 = tpu.memref_slice %arg6[%dma_start3A_769, %dma_start3A_770] : memref<200x128xf32, #tpu.memory_space<vmem>> -> memref<50x128xf32, #tpu.memory_space<vmem>>
      tpu.enqueue_dma source(%dma_start3A_771 : memref<50x128xf32, #tpu.memory_space<vmem>>) target(%dma_start3A_768 : memref<50x128xf32, #tpu.memory_space<hbm>>) target_semaphore(%arg14 : memref<!tpu.dma_semaphore, #tpu.memory_space<semaphore_mem>>)
      %mul3A_772 = arith.constant 4 : i32
      %mul3A_773 = arith.muli %add3A_747, %mul3A_772 : i32
      %add3A_774 = arith.addi %mul3A_4, %mul3A_773 : i32
      %add3A_775 = arith.constant 1 : i32
      %add3A_776 = arith.addi %add3A_774, %add3A_775 : i32
      %dma_start3A_777 = arith.constant 50 : i32
      %dma_start3A_778 = arith.constant 0 : i32
      %dma_start3A_779 = tpu.memref_slice %arg6[%dma_start3A_777, %dma_start3A_778] : memref<200x128xf32, #tpu.memory_space<vmem>> -> memref<50x128xf32, #tpu.memory_space<vmem>>
      %dma_start3A_780 = arith.constant 0 : i32
      %dma_start3A_781 = arith.constant 0 : i32
      %dma_start3A_782 = tpu.memref_slice %arg4[%add3A_776, %dma_start3A_780, %dma_start3A_781] : memref<4096x50x128xf32, #tpu.memory_space<hbm>> -> memref<1x50x128xf32, #tpu.memory_space<hbm>>
      %dma_start3A_783 = tpu.memref_squeeze %dma_start3A_782 : memref<1x50x128xf32, #tpu.memory_space<hbm>> -> memref<50x128xf32, #tpu.memory_space<hbm>>
      %dma_start3A_784 = arith.constant 0 : i32
      %dma_start3A_785 = arith.constant 0 : i32
      %dma_start3A_786 = tpu.memref_slice %arg4[%add3A_776, %dma_start3A_784, %dma_start3A_785] : memref<4096x50x128xf32, #tpu.memory_space<hbm>> -> memref<1x50x128xf32, #tpu.memory_space<hbm>>
      %dma_start3A_787 = tpu.memref_squeeze %dma_start3A_786 : memref<1x50x128xf32, #tpu.memory_space<hbm>> -> memref<50x128xf32, #tpu.memory_space<hbm>>
      %dma_start3A_788 = arith.constant 50 : i32
      %dma_start3A_789 = arith.constant 0 : i32
      %dma_start3A_790 = tpu.memref_slice %arg6[%dma_start3A_788, %dma_start3A_789] : memref<200x128xf32, #tpu.memory_space<vmem>> -> memref<50x128xf32, #tpu.memory_space<vmem>>
      tpu.enqueue_dma source(%dma_start3A_790 : memref<50x128xf32, #tpu.memory_space<vmem>>) target(%dma_start3A_787 : memref<50x128xf32, #tpu.memory_space<hbm>>) target_semaphore(%arg14 : memref<!tpu.dma_semaphore, #tpu.memory_space<semaphore_mem>>)
      %mul3A_791 = arith.constant 4 : i32
      %mul3A_792 = arith.muli %add3A_747, %mul3A_791 : i32
      %add3A_793 = arith.addi %mul3A_4, %mul3A_792 : i32
      %add3A_794 = arith.constant 2 : i32
      %add3A_795 = arith.addi %add3A_793, %add3A_794 : i32
      %dma_start3A_796 = arith.constant 100 : i32
      %dma_start3A_797 = arith.constant 0 : i32
      %dma_start3A_798 = tpu.memref_slice %arg6[%dma_start3A_796, %dma_start3A_797] : memref<200x128xf32, #tpu.memory_space<vmem>> -> memref<50x128xf32, #tpu.memory_space<vmem>>
      %dma_start3A_799 = arith.constant 0 : i32
      %dma_start3A_800 = arith.constant 0 : i32
      %dma_start3A_801 = tpu.memref_slice %arg4[%add3A_795, %dma_start3A_799, %dma_start3A_800] : memref<4096x50x128xf32, #tpu.memory_space<hbm>> -> memref<1x50x128xf32, #tpu.memory_space<hbm>>
      %dma_start3A_802 = tpu.memref_squeeze %dma_start3A_801 : memref<1x50x128xf32, #tpu.memory_space<hbm>> -> memref<50x128xf32, #tpu.memory_space<hbm>>
      %dma_start3A_803 = arith.constant 0 : i32
      %dma_start3A_804 = arith.constant 0 : i32
      %dma_start3A_805 = tpu.memref_slice %arg4[%add3A_795, %dma_start3A_803, %dma_start3A_804] : memref<4096x50x128xf32, #tpu.memory_space<hbm>> -> memref<1x50x128xf32, #tpu.memory_space<hbm>>
      %dma_start3A_806 = tpu.memref_squeeze %dma_start3A_805 : memref<1x50x128xf32, #tpu.memory_space<hbm>> -> memref<50x128xf32, #tpu.memory_space<hbm>>
      %dma_start3A_807 = arith.constant 100 : i32
      %dma_start3A_808 = arith.constant 0 : i32
      %dma_start3A_809 = tpu.memref_slice %arg6[%dma_start3A_807, %dma_start3A_808] : memref<200x128xf32, #tpu.memory_space<vmem>> -> memref<50x128xf32, #tpu.memory_space<vmem>>
      tpu.enqueue_dma source(%dma_start3A_809 : memref<50x128xf32, #tpu.memory_space<vmem>>) target(%dma_start3A_806 : memref<50x128xf32, #tpu.memory_space<hbm>>) target_semaphore(%arg14 : memref<!tpu.dma_semaphore, #tpu.memory_space<semaphore_mem>>)
      %mul3A_810 = arith.constant 4 : i32
      %mul3A_811 = arith.muli %add3A_747, %mul3A_810 : i32
      %add3A_812 = arith.addi %mul3A_4, %mul3A_811 : i32
      %add3A_813 = arith.constant 3 : i32
      %add3A_814 = arith.addi %add3A_812, %add3A_813 : i32
      %dma_start3A_815 = arith.constant 150 : i32
      %dma_start3A_816 = arith.constant 0 : i32
      %dma_start3A_817 = tpu.memref_slice %arg6[%dma_start3A_815, %dma_start3A_816] : memref<200x128xf32, #tpu.memory_space<vmem>> -> memref<50x128xf32, #tpu.memory_space<vmem>>
      %dma_start3A_818 = arith.constant 0 : i32
      %dma_start3A_819 = arith.constant 0 : i32
      %dma_start3A_820 = tpu.memref_slice %arg4[%add3A_814, %dma_start3A_818, %dma_start3A_819] : memref<4096x50x128xf32, #tpu.memory_space<hbm>> -> memref<1x50x128xf32, #tpu.memory_space<hbm>>
      %dma_start3A_821 = tpu.memref_squeeze %dma_start3A_820 : memref<1x50x128xf32, #tpu.memory_space<hbm>> -> memref<50x128xf32, #tpu.memory_space<hbm>>
      %dma_start3A_822 = arith.constant 0 : i32
      %dma_start3A_823 = arith.constant 0 : i32
      %dma_start3A_824 = tpu.memref_slice %arg4[%add3A_814, %dma_start3A_822, %dma_start3A_823] : memref<4096x50x128xf32, #tpu.memory_space<hbm>> -> memref<1x50x128xf32, #tpu.memory_space<hbm>>
      %dma_start3A_825 = tpu.memref_squeeze %dma_start3A_824 : memref<1x50x128xf32, #tpu.memory_space<hbm>> -> memref<50x128xf32, #tpu.memory_space<hbm>>
      %dma_start3A_826 = arith.constant 150 : i32
      %dma_start3A_827 = arith.constant 0 : i32
      %dma_start3A_828 = tpu.memref_slice %arg6[%dma_start3A_826, %dma_start3A_827] : memref<200x128xf32, #tpu.memory_space<vmem>> -> memref<50x128xf32, #tpu.memory_space<vmem>>
      tpu.enqueue_dma source(%dma_start3A_828 : memref<50x128xf32, #tpu.memory_space<vmem>>) target(%dma_start3A_825 : memref<50x128xf32, #tpu.memory_space<hbm>>) target_semaphore(%arg14 : memref<!tpu.dma_semaphore, #tpu.memory_space<semaphore_mem>>)
      %add3A_829 = arith.constant 3 : i32
      %add3A_830 = arith.addi %add3A_747, %add3A_829 : i32
      %lt3A = arith.constant 32 : i32
      %lt3A_831 = arith.cmpi slt, %add3A_830, %lt3A : i32
      %convert_element_type3A = arith.extui %lt3A_831 : i1 to i32
      %cond3A = arith.constant 0 : i32
      %cond3A_832 = arith.cmpi ne, %convert_element_type3A, %cond3A : i32
      scf.if %cond3A_832 {
        %dma_wait3A_1103 = arith.constant 0 : i32
        %dma_wait3A_1104 = arith.constant 0 : i32
        %dma_wait3A_1105 = tpu.memref_slice %arg9[%dma_wait3A_1103, %dma_wait3A_1104] : memref<200x128xf32, #tpu.memory_space<vmem>> -> memref<50x128xf32, #tpu.memory_space<vmem>>
        %dma_wait3A_1106 = arith.constant 0 : i32
        %dma_wait3A_1107 = arith.constant 0 : i32
        %dma_wait3A_1108 = tpu.memref_slice %arg4[%mul3A_4, %dma_wait3A_1106, %dma_wait3A_1107] : memref<4096x50x128xf32, #tpu.memory_space<hbm>> -> memref<1x50x128xf32, #tpu.memory_space<hbm>>
        %dma_wait3A_1109 = tpu.memref_squeeze %dma_wait3A_1108 : memref<1x50x128xf32, #tpu.memory_space<hbm>> -> memref<50x128xf32, #tpu.memory_space<hbm>>
        %dma_wait3A_1110 = arith.constant 0 : i32
        %dma_wait3A_1111 = arith.constant 0 : i32
        %dma_wait3A_1112 = tpu.memref_slice %arg4[%mul3A_4, %dma_wait3A_1110, %dma_wait3A_1111] : memref<4096x50x128xf32, #tpu.memory_space<hbm>> -> memref<1x50x128xf32, #tpu.memory_space<hbm>>
        %dma_wait3A_1113 = tpu.memref_squeeze %dma_wait3A_1112 : memref<1x50x128xf32, #tpu.memory_space<hbm>> -> memref<50x128xf32, #tpu.memory_space<hbm>>
        %dma_wait3A_1114 = arith.constant 0 : i32
        %dma_wait3A_1115 = arith.constant 0 : i32
        %dma_wait3A_1116 = tpu.memref_slice %arg9[%dma_wait3A_1114, %dma_wait3A_1115] : memref<200x128xf32, #tpu.memory_space<vmem>> -> memref<50x128xf32, #tpu.memory_space<vmem>>
        tpu.wait_dma2 semaphore(%arg17 : memref<!tpu.dma_semaphore, #tpu.memory_space<semaphore_mem>>) src(%dma_wait3A_1116 : memref<50x128xf32, #tpu.memory_space<vmem>>) dst(%dma_wait3A_1113 : memref<50x128xf32, #tpu.memory_space<hbm>>)
        %dma_wait3A_1117 = arith.constant 0 : i32
        %dma_wait3A_1118 = arith.constant 0 : i32
        %dma_wait3A_1119 = tpu.memref_slice %arg9[%dma_wait3A_1117, %dma_wait3A_1118] : memref<200x128xf32, #tpu.memory_space<vmem>> -> memref<50x128xf32, #tpu.memory_space<vmem>>
        %dma_wait3A_1120 = arith.constant 0 : i32
        %dma_wait3A_1121 = arith.constant 0 : i32
        %dma_wait3A_1122 = tpu.memref_slice %arg4[%mul3A_4, %dma_wait3A_1120, %dma_wait3A_1121] : memref<4096x50x128xf32, #tpu.memory_space<hbm>> -> memref<1x50x128xf32, #tpu.memory_space<hbm>>
        %dma_wait3A_1123 = tpu.memref_squeeze %dma_wait3A_1122 : memref<1x50x128xf32, #tpu.memory_space<hbm>> -> memref<50x128xf32, #tpu.memory_space<hbm>>
        %dma_wait3A_1124 = arith.constant 0 : i32
        %dma_wait3A_1125 = arith.constant 0 : i32
        %dma_wait3A_1126 = tpu.memref_slice %arg4[%mul3A_4, %dma_wait3A_1124, %dma_wait3A_1125] : memref<4096x50x128xf32, #tpu.memory_space<hbm>> -> memref<1x50x128xf32, #tpu.memory_space<hbm>>
        %dma_wait3A_1127 = tpu.memref_squeeze %dma_wait3A_1126 : memref<1x50x128xf32, #tpu.memory_space<hbm>> -> memref<50x128xf32, #tpu.memory_space<hbm>>
        %dma_wait3A_1128 = arith.constant 0 : i32
        %dma_wait3A_1129 = arith.constant 0 : i32
        %dma_wait3A_1130 = tpu.memref_slice %arg9[%dma_wait3A_1128, %dma_wait3A_1129] : memref<200x128xf32, #tpu.memory_space<vmem>> -> memref<50x128xf32, #tpu.memory_space<vmem>>
        tpu.wait_dma2 semaphore(%arg17 : memref<!tpu.dma_semaphore, #tpu.memory_space<semaphore_mem>>) src(%dma_wait3A_1130 : memref<50x128xf32, #tpu.memory_space<vmem>>) dst(%dma_wait3A_1127 : memref<50x128xf32, #tpu.memory_space<hbm>>)
        %dma_wait3A_1131 = arith.constant 0 : i32
        %dma_wait3A_1132 = arith.constant 0 : i32
        %dma_wait3A_1133 = tpu.memref_slice %arg9[%dma_wait3A_1131, %dma_wait3A_1132] : memref<200x128xf32, #tpu.memory_space<vmem>> -> memref<50x128xf32, #tpu.memory_space<vmem>>
        %dma_wait3A_1134 = arith.constant 0 : i32
        %dma_wait3A_1135 = arith.constant 0 : i32
        %dma_wait3A_1136 = tpu.memref_slice %arg4[%mul3A_4, %dma_wait3A_1134, %dma_wait3A_1135] : memref<4096x50x128xf32, #tpu.memory_space<hbm>> -> memref<1x50x128xf32, #tpu.memory_space<hbm>>
        %dma_wait3A_1137 = tpu.memref_squeeze %dma_wait3A_1136 : memref<1x50x128xf32, #tpu.memory_space<hbm>> -> memref<50x128xf32, #tpu.memory_space<hbm>>
        %dma_wait3A_1138 = arith.constant 0 : i32
        %dma_wait3A_1139 = arith.constant 0 : i32
        %dma_wait3A_1140 = tpu.memref_slice %arg4[%mul3A_4, %dma_wait3A_1138, %dma_wait3A_1139] : memref<4096x50x128xf32, #tpu.memory_space<hbm>> -> memref<1x50x128xf32, #tpu.memory_space<hbm>>
        %dma_wait3A_1141 = tpu.memref_squeeze %dma_wait3A_1140 : memref<1x50x128xf32, #tpu.memory_space<hbm>> -> memref<50x128xf32, #tpu.memory_space<hbm>>
        %dma_wait3A_1142 = arith.constant 0 : i32
        %dma_wait3A_1143 = arith.constant 0 : i32
        %dma_wait3A_1144 = tpu.memref_slice %arg9[%dma_wait3A_1142, %dma_wait3A_1143] : memref<200x128xf32, #tpu.memory_space<vmem>> -> memref<50x128xf32, #tpu.memory_space<vmem>>
        tpu.wait_dma2 semaphore(%arg17 : memref<!tpu.dma_semaphore, #tpu.memory_space<semaphore_mem>>) src(%dma_wait3A_1144 : memref<50x128xf32, #tpu.memory_space<vmem>>) dst(%dma_wait3A_1141 : memref<50x128xf32, #tpu.memory_space<hbm>>)
        %dma_wait3A_1145 = arith.constant 0 : i32
        %dma_wait3A_1146 = arith.constant 0 : i32
        %dma_wait3A_1147 = tpu.memref_slice %arg9[%dma_wait3A_1145, %dma_wait3A_1146] : memref<200x128xf32, #tpu.memory_space<vmem>> -> memref<50x128xf32, #tpu.memory_space<vmem>>
        %dma_wait3A_1148 = arith.constant 0 : i32
        %dma_wait3A_1149 = arith.constant 0 : i32
        %dma_wait3A_1150 = tpu.memref_slice %arg4[%mul3A_4, %dma_wait3A_1148, %dma_wait3A_1149] : memref<4096x50x128xf32, #tpu.memory_space<hbm>> -> memref<1x50x128xf32, #tpu.memory_space<hbm>>
        %dma_wait3A_1151 = tpu.memref_squeeze %dma_wait3A_1150 : memref<1x50x128xf32, #tpu.memory_space<hbm>> -> memref<50x128xf32, #tpu.memory_space<hbm>>
        %dma_wait3A_1152 = arith.constant 0 : i32
        %dma_wait3A_1153 = arith.constant 0 : i32
        %dma_wait3A_1154 = tpu.memref_slice %arg4[%mul3A_4, %dma_wait3A_1152, %dma_wait3A_1153] : memref<4096x50x128xf32, #tpu.memory_space<hbm>> -> memref<1x50x128xf32, #tpu.memory_space<hbm>>
        %dma_wait3A_1155 = tpu.memref_squeeze %dma_wait3A_1154 : memref<1x50x128xf32, #tpu.memory_space<hbm>> -> memref<50x128xf32, #tpu.memory_space<hbm>>
        %dma_wait3A_1156 = arith.constant 0 : i32
        %dma_wait3A_1157 = arith.constant 0 : i32
        %dma_wait3A_1158 = tpu.memref_slice %arg9[%dma_wait3A_1156, %dma_wait3A_1157] : memref<200x128xf32, #tpu.memory_space<vmem>> -> memref<50x128xf32, #tpu.memory_space<vmem>>
        tpu.wait_dma2 semaphore(%arg17 : memref<!tpu.dma_semaphore, #tpu.memory_space<semaphore_mem>>) src(%dma_wait3A_1158 : memref<50x128xf32, #tpu.memory_space<vmem>>) dst(%dma_wait3A_1155 : memref<50x128xf32, #tpu.memory_space<hbm>>)
        %add3A_1159 = arith.constant 3 : i32
        %add3A_1160 = arith.addi %add3A_747, %add3A_1159 : i32
        %mul3A_1161 = arith.constant 200 : i32
        %mul3A_1162 = arith.muli %add3A_1160, %mul3A_1161 : i32
        %dma_start3A_1163 = tpu.memref_slice %arg5[%mul3A_1162] : memref<6400xi32, #tpu.memory_space<vmem>> -> memref<200xi32, #tpu.memory_space<vmem>>
        %dma_start3A_1164 = arith.constant 0 : i32
        %dma_start3A_1165 = arith.constant 0 : i32
        %dma_start3A_1166 = tpu.memref_slice %arg3[%dma_start3A_1164, %dma_start3A_1165] : memref<100000x128xf32, #tpu.memory_space<hbm>> -> memref<100000x128xf32, #tpu.memory_space<hbm>>
        tpu.enqueue_indirect_dma source(%dma_start3A_1166 : memref<100000x128xf32, #tpu.memory_space<hbm>>) target(%arg9 : memref<200x128xf32, #tpu.memory_space<vmem>>) offsets(%dma_start3A_1163 : memref<200xi32, #tpu.memory_space<vmem>>) semaphore(%arg13 : memref<!tpu.dma_semaphore, #tpu.memory_space<semaphore_mem>>)
      } else {
      }
      %add3A_833 = arith.constant 1 : i32
      %add3A_834 = arith.addi %mul3A_745, %add3A_833 : i32
      %dma_wait3A_835 = arith.constant 0 : i32
      %dma_wait3A_836 = tpu.memref_slice %arg5[%dma_wait3A_835] : memref<6400xi32, #tpu.memory_space<vmem>> -> memref<200xi32, #tpu.memory_space<vmem>>
      %dma_wait3A_837 = arith.constant 0 : i32
      %dma_wait3A_838 = arith.constant 0 : i32
      %dma_wait3A_839 = tpu.memref_slice %arg3[%dma_wait3A_837, %dma_wait3A_838] : memref<100000x128xf32, #tpu.memory_space<hbm>> -> memref<100000x128xf32, #tpu.memory_space<hbm>>
      tpu.wait_indirect_dma semaphore(%arg11 : memref<!tpu.dma_semaphore, #tpu.memory_space<semaphore_mem>>) src(%dma_wait3A_839 : memref<100000x128xf32, #tpu.memory_space<hbm>>) dst(%arg7 : memref<200x128xf32, #tpu.memory_space<vmem>>)
      %mul3A_840 = arith.constant 4 : i32
      %mul3A_841 = arith.muli %add3A_834, %mul3A_840 : i32
      %add3A_842 = arith.addi %mul3A_4, %mul3A_841 : i32
      %add3A_843 = arith.constant 0 : i32
      %add3A_844 = arith.addi %add3A_842, %add3A_843 : i32
      %dma_start3A_845 = arith.constant 0 : i32
      %dma_start3A_846 = arith.constant 0 : i32
      %dma_start3A_847 = tpu.memref_slice %arg7[%dma_start3A_845, %dma_start3A_846] : memref<200x128xf32, #tpu.memory_space<vmem>> -> memref<50x128xf32, #tpu.memory_space<vmem>>
      %dma_start3A_848 = arith.constant 0 : i32
      %dma_start3A_849 = arith.constant 0 : i32
      %dma_start3A_850 = tpu.memref_slice %arg4[%add3A_844, %dma_start3A_848, %dma_start3A_849] : memref<4096x50x128xf32, #tpu.memory_space<hbm>> -> memref<1x50x128xf32, #tpu.memory_space<hbm>>
      %dma_start3A_851 = tpu.memref_squeeze %dma_start3A_850 : memref<1x50x128xf32, #tpu.memory_space<hbm>> -> memref<50x128xf32, #tpu.memory_space<hbm>>
      %dma_start3A_852 = arith.constant 0 : i32
      %dma_start3A_853 = arith.constant 0 : i32
      %dma_start3A_854 = tpu.memref_slice %arg4[%add3A_844, %dma_start3A_852, %dma_start3A_853] : memref<4096x50x128xf32, #tpu.memory_space<hbm>> -> memref<1x50x128xf32, #tpu.memory_space<hbm>>
      %dma_start3A_855 = tpu.memref_squeeze %dma_start3A_854 : memref<1x50x128xf32, #tpu.memory_space<hbm>> -> memref<50x128xf32, #tpu.memory_space<hbm>>
      %dma_start3A_856 = arith.constant 0 : i32
      %dma_start3A_857 = arith.constant 0 : i32
      %dma_start3A_858 = tpu.memref_slice %arg7[%dma_start3A_856, %dma_start3A_857] : memref<200x128xf32, #tpu.memory_space<vmem>> -> memref<50x128xf32, #tpu.memory_space<vmem>>
      tpu.enqueue_dma source(%dma_start3A_858 : memref<50x128xf32, #tpu.memory_space<vmem>>) target(%dma_start3A_855 : memref<50x128xf32, #tpu.memory_space<hbm>>) target_semaphore(%arg15 : memref<!tpu.dma_semaphore, #tpu.memory_space<semaphore_mem>>)
      %mul3A_859 = arith.constant 4 : i32
      %mul3A_860 = arith.muli %add3A_834, %mul3A_859 : i32
      %add3A_861 = arith.addi %mul3A_4, %mul3A_860 : i32
      %add3A_862 = arith.constant 1 : i32
      %add3A_863 = arith.addi %add3A_861, %add3A_862 : i32
      %dma_start3A_864 = arith.constant 50 : i32
      %dma_start3A_865 = arith.constant 0 : i32
      %dma_start3A_866 = tpu.memref_slice %arg7[%dma_start3A_864, %dma_start3A_865] : memref<200x128xf32, #tpu.memory_space<vmem>> -> memref<50x128xf32, #tpu.memory_space<vmem>>
      %dma_start3A_867 = arith.constant 0 : i32
      %dma_start3A_868 = arith.constant 0 : i32
      %dma_start3A_869 = tpu.memref_slice %arg4[%add3A_863, %dma_start3A_867, %dma_start3A_868] : memref<4096x50x128xf32, #tpu.memory_space<hbm>> -> memref<1x50x128xf32, #tpu.memory_space<hbm>>
      %dma_start3A_870 = tpu.memref_squeeze %dma_start3A_869 : memref<1x50x128xf32, #tpu.memory_space<hbm>> -> memref<50x128xf32, #tpu.memory_space<hbm>>
      %dma_start3A_871 = arith.constant 0 : i32
      %dma_start3A_872 = arith.constant 0 : i32
      %dma_start3A_873 = tpu.memref_slice %arg4[%add3A_863, %dma_start3A_871, %dma_start3A_872] : memref<4096x50x128xf32, #tpu.memory_space<hbm>> -> memref<1x50x128xf32, #tpu.memory_space<hbm>>
      %dma_start3A_874 = tpu.memref_squeeze %dma_start3A_873 : memref<1x50x128xf32, #tpu.memory_space<hbm>> -> memref<50x128xf32, #tpu.memory_space<hbm>>
      %dma_start3A_875 = arith.constant 50 : i32
      %dma_start3A_876 = arith.constant 0 : i32
      %dma_start3A_877 = tpu.memref_slice %arg7[%dma_start3A_875, %dma_start3A_876] : memref<200x128xf32, #tpu.memory_space<vmem>> -> memref<50x128xf32, #tpu.memory_space<vmem>>
      tpu.enqueue_dma source(%dma_start3A_877 : memref<50x128xf32, #tpu.memory_space<vmem>>) target(%dma_start3A_874 : memref<50x128xf32, #tpu.memory_space<hbm>>) target_semaphore(%arg15 : memref<!tpu.dma_semaphore, #tpu.memory_space<semaphore_mem>>)
      %mul3A_878 = arith.constant 4 : i32
      %mul3A_879 = arith.muli %add3A_834, %mul3A_878 : i32
      %add3A_880 = arith.addi %mul3A_4, %mul3A_879 : i32
      %add3A_881 = arith.constant 2 : i32
      %add3A_882 = arith.addi %add3A_880, %add3A_881 : i32
      %dma_start3A_883 = arith.constant 100 : i32
      %dma_start3A_884 = arith.constant 0 : i32
      %dma_start3A_885 = tpu.memref_slice %arg7[%dma_start3A_883, %dma_start3A_884] : memref<200x128xf32, #tpu.memory_space<vmem>> -> memref<50x128xf32, #tpu.memory_space<vmem>>
      %dma_start3A_886 = arith.constant 0 : i32
      %dma_start3A_887 = arith.constant 0 : i32
      %dma_start3A_888 = tpu.memref_slice %arg4[%add3A_882, %dma_start3A_886, %dma_start3A_887] : memref<4096x50x128xf32, #tpu.memory_space<hbm>> -> memref<1x50x128xf32, #tpu.memory_space<hbm>>
      %dma_start3A_889 = tpu.memref_squeeze %dma_start3A_888 : memref<1x50x128xf32, #tpu.memory_space<hbm>> -> memref<50x128xf32, #tpu.memory_space<hbm>>
      %dma_start3A_890 = arith.constant 0 : i32
      %dma_start3A_891 = arith.constant 0 : i32
      %dma_start3A_892 = tpu.memref_slice %arg4[%add3A_882, %dma_start3A_890, %dma_start3A_891] : memref<4096x50x128xf32, #tpu.memory_space<hbm>> -> memref<1x50x128xf32, #tpu.memory_space<hbm>>
      %dma_start3A_893 = tpu.memref_squeeze %dma_start3A_892 : memref<1x50x128xf32, #tpu.memory_space<hbm>> -> memref<50x128xf32, #tpu.memory_space<hbm>>
      %dma_start3A_894 = arith.constant 100 : i32
      %dma_start3A_895 = arith.constant 0 : i32
      %dma_start3A_896 = tpu.memref_slice %arg7[%dma_start3A_894, %dma_start3A_895] : memref<200x128xf32, #tpu.memory_space<vmem>> -> memref<50x128xf32, #tpu.memory_space<vmem>>
      tpu.enqueue_dma source(%dma_start3A_896 : memref<50x128xf32, #tpu.memory_space<vmem>>) target(%dma_start3A_893 : memref<50x128xf32, #tpu.memory_space<hbm>>) target_semaphore(%arg15 : memref<!tpu.dma_semaphore, #tpu.memory_space<semaphore_mem>>)
      %mul3A_897 = arith.constant 4 : i32
      %mul3A_898 = arith.muli %add3A_834, %mul3A_897 : i32
      %add3A_899 = arith.addi %mul3A_4, %mul3A_898 : i32
      %add3A_900 = arith.constant 3 : i32
      %add3A_901 = arith.addi %add3A_899, %add3A_900 : i32
      %dma_start3A_902 = arith.constant 150 : i32
      %dma_start3A_903 = arith.constant 0 : i32
      %dma_start3A_904 = tpu.memref_slice %arg7[%dma_start3A_902, %dma_start3A_903] : memref<200x128xf32, #tpu.memory_space<vmem>> -> memref<50x128xf32, #tpu.memory_space<vmem>>
      %dma_start3A_905 = arith.constant 0 : i32
      %dma_start3A_906 = arith.constant 0 : i32
      %dma_start3A_907 = tpu.memref_slice %arg4[%add3A_901, %dma_start3A_905, %dma_start3A_906] : memref<4096x50x128xf32, #tpu.memory_space<hbm>> -> memref<1x50x128xf32, #tpu.memory_space<hbm>>
      %dma_start3A_908 = tpu.memref_squeeze %dma_start3A_907 : memref<1x50x128xf32, #tpu.memory_space<hbm>> -> memref<50x128xf32, #tpu.memory_space<hbm>>
      %dma_start3A_909 = arith.constant 0 : i32
      %dma_start3A_910 = arith.constant 0 : i32
      %dma_start3A_911 = tpu.memref_slice %arg4[%add3A_901, %dma_start3A_909, %dma_start3A_910] : memref<4096x50x128xf32, #tpu.memory_space<hbm>> -> memref<1x50x128xf32, #tpu.memory_space<hbm>>
      %dma_start3A_912 = tpu.memref_squeeze %dma_start3A_911 : memref<1x50x128xf32, #tpu.memory_space<hbm>> -> memref<50x128xf32, #tpu.memory_space<hbm>>
      %dma_start3A_913 = arith.constant 150 : i32
      %dma_start3A_914 = arith.constant 0 : i32
      %dma_start3A_915 = tpu.memref_slice %arg7[%dma_start3A_913, %dma_start3A_914] : memref<200x128xf32, #tpu.memory_space<vmem>> -> memref<50x128xf32, #tpu.memory_space<vmem>>
      tpu.enqueue_dma source(%dma_start3A_915 : memref<50x128xf32, #tpu.memory_space<vmem>>) target(%dma_start3A_912 : memref<50x128xf32, #tpu.memory_space<hbm>>) target_semaphore(%arg15 : memref<!tpu.dma_semaphore, #tpu.memory_space<semaphore_mem>>)
      %add3A_916 = arith.constant 3 : i32
      %add3A_917 = arith.addi %add3A_834, %add3A_916 : i32
      %lt3A_918 = arith.constant 32 : i32
      %lt3A_919 = arith.cmpi slt, %add3A_917, %lt3A_918 : i32
      %convert_element_type3A_920 = arith.extui %lt3A_919 : i1 to i32
      %cond3A_921 = arith.constant 0 : i32
      %cond3A_922 = arith.cmpi ne, %convert_element_type3A_920, %cond3A_921 : i32
      scf.if %cond3A_922 {
        %dma_wait3A_1103 = arith.constant 0 : i32
        %dma_wait3A_1104 = arith.constant 0 : i32
        %dma_wait3A_1105 = tpu.memref_slice %arg6[%dma_wait3A_1103, %dma_wait3A_1104] : memref<200x128xf32, #tpu.memory_space<vmem>> -> memref<50x128xf32, #tpu.memory_space<vmem>>
        %dma_wait3A_1106 = arith.constant 0 : i32
        %dma_wait3A_1107 = arith.constant 0 : i32
        %dma_wait3A_1108 = tpu.memref_slice %arg4[%mul3A_4, %dma_wait3A_1106, %dma_wait3A_1107] : memref<4096x50x128xf32, #tpu.memory_space<hbm>> -> memref<1x50x128xf32, #tpu.memory_space<hbm>>
        %dma_wait3A_1109 = tpu.memref_squeeze %dma_wait3A_1108 : memref<1x50x128xf32, #tpu.memory_space<hbm>> -> memref<50x128xf32, #tpu.memory_space<hbm>>
        %dma_wait3A_1110 = arith.constant 0 : i32
        %dma_wait3A_1111 = arith.constant 0 : i32
        %dma_wait3A_1112 = tpu.memref_slice %arg4[%mul3A_4, %dma_wait3A_1110, %dma_wait3A_1111] : memref<4096x50x128xf32, #tpu.memory_space<hbm>> -> memref<1x50x128xf32, #tpu.memory_space<hbm>>
        %dma_wait3A_1113 = tpu.memref_squeeze %dma_wait3A_1112 : memref<1x50x128xf32, #tpu.memory_space<hbm>> -> memref<50x128xf32, #tpu.memory_space<hbm>>
        %dma_wait3A_1114 = arith.constant 0 : i32
        %dma_wait3A_1115 = arith.constant 0 : i32
        %dma_wait3A_1116 = tpu.memref_slice %arg6[%dma_wait3A_1114, %dma_wait3A_1115] : memref<200x128xf32, #tpu.memory_space<vmem>> -> memref<50x128xf32, #tpu.memory_space<vmem>>
        tpu.wait_dma2 semaphore(%arg14 : memref<!tpu.dma_semaphore, #tpu.memory_space<semaphore_mem>>) src(%dma_wait3A_1116 : memref<50x128xf32, #tpu.memory_space<vmem>>) dst(%dma_wait3A_1113 : memref<50x128xf32, #tpu.memory_space<hbm>>)
        %dma_wait3A_1117 = arith.constant 0 : i32
        %dma_wait3A_1118 = arith.constant 0 : i32
        %dma_wait3A_1119 = tpu.memref_slice %arg6[%dma_wait3A_1117, %dma_wait3A_1118] : memref<200x128xf32, #tpu.memory_space<vmem>> -> memref<50x128xf32, #tpu.memory_space<vmem>>
        %dma_wait3A_1120 = arith.constant 0 : i32
        %dma_wait3A_1121 = arith.constant 0 : i32
        %dma_wait3A_1122 = tpu.memref_slice %arg4[%mul3A_4, %dma_wait3A_1120, %dma_wait3A_1121] : memref<4096x50x128xf32, #tpu.memory_space<hbm>> -> memref<1x50x128xf32, #tpu.memory_space<hbm>>
        %dma_wait3A_1123 = tpu.memref_squeeze %dma_wait3A_1122 : memref<1x50x128xf32, #tpu.memory_space<hbm>> -> memref<50x128xf32, #tpu.memory_space<hbm>>
        %dma_wait3A_1124 = arith.constant 0 : i32
        %dma_wait3A_1125 = arith.constant 0 : i32
        %dma_wait3A_1126 = tpu.memref_slice %arg4[%mul3A_4, %dma_wait3A_1124, %dma_wait3A_1125] : memref<4096x50x128xf32, #tpu.memory_space<hbm>> -> memref<1x50x128xf32, #tpu.memory_space<hbm>>
        %dma_wait3A_1127 = tpu.memref_squeeze %dma_wait3A_1126 : memref<1x50x128xf32, #tpu.memory_space<hbm>> -> memref<50x128xf32, #tpu.memory_space<hbm>>
        %dma_wait3A_1128 = arith.constant 0 : i32
        %dma_wait3A_1129 = arith.constant 0 : i32
        %dma_wait3A_1130 = tpu.memref_slice %arg6[%dma_wait3A_1128, %dma_wait3A_1129] : memref<200x128xf32, #tpu.memory_space<vmem>> -> memref<50x128xf32, #tpu.memory_space<vmem>>
        tpu.wait_dma2 semaphore(%arg14 : memref<!tpu.dma_semaphore, #tpu.memory_space<semaphore_mem>>) src(%dma_wait3A_1130 : memref<50x128xf32, #tpu.memory_space<vmem>>) dst(%dma_wait3A_1127 : memref<50x128xf32, #tpu.memory_space<hbm>>)
        %dma_wait3A_1131 = arith.constant 0 : i32
        %dma_wait3A_1132 = arith.constant 0 : i32
        %dma_wait3A_1133 = tpu.memref_slice %arg6[%dma_wait3A_1131, %dma_wait3A_1132] : memref<200x128xf32, #tpu.memory_space<vmem>> -> memref<50x128xf32, #tpu.memory_space<vmem>>
        %dma_wait3A_1134 = arith.constant 0 : i32
        %dma_wait3A_1135 = arith.constant 0 : i32
        %dma_wait3A_1136 = tpu.memref_slice %arg4[%mul3A_4, %dma_wait3A_1134, %dma_wait3A_1135] : memref<4096x50x128xf32, #tpu.memory_space<hbm>> -> memref<1x50x128xf32, #tpu.memory_space<hbm>>
        %dma_wait3A_1137 = tpu.memref_squeeze %dma_wait3A_1136 : memref<1x50x128xf32, #tpu.memory_space<hbm>> -> memref<50x128xf32, #tpu.memory_space<hbm>>
        %dma_wait3A_1138 = arith.constant 0 : i32
        %dma_wait3A_1139 = arith.constant 0 : i32
        %dma_wait3A_1140 = tpu.memref_slice %arg4[%mul3A_4, %dma_wait3A_1138, %dma_wait3A_1139] : memref<4096x50x128xf32, #tpu.memory_space<hbm>> -> memref<1x50x128xf32, #tpu.memory_space<hbm>>
        %dma_wait3A_1141 = tpu.memref_squeeze %dma_wait3A_1140 : memref<1x50x128xf32, #tpu.memory_space<hbm>> -> memref<50x128xf32, #tpu.memory_space<hbm>>
        %dma_wait3A_1142 = arith.constant 0 : i32
        %dma_wait3A_1143 = arith.constant 0 : i32
        %dma_wait3A_1144 = tpu.memref_slice %arg6[%dma_wait3A_1142, %dma_wait3A_1143] : memref<200x128xf32, #tpu.memory_space<vmem>> -> memref<50x128xf32, #tpu.memory_space<vmem>>
        tpu.wait_dma2 semaphore(%arg14 : memref<!tpu.dma_semaphore, #tpu.memory_space<semaphore_mem>>) src(%dma_wait3A_1144 : memref<50x128xf32, #tpu.memory_space<vmem>>) dst(%dma_wait3A_1141 : memref<50x128xf32, #tpu.memory_space<hbm>>)
        %dma_wait3A_1145 = arith.constant 0 : i32
        %dma_wait3A_1146 = arith.constant 0 : i32
        %dma_wait3A_1147 = tpu.memref_slice %arg6[%dma_wait3A_1145, %dma_wait3A_1146] : memref<200x128xf32, #tpu.memory_space<vmem>> -> memref<50x128xf32, #tpu.memory_space<vmem>>
        %dma_wait3A_1148 = arith.constant 0 : i32
        %dma_wait3A_1149 = arith.constant 0 : i32
        %dma_wait3A_1150 = tpu.memref_slice %arg4[%mul3A_4, %dma_wait3A_1148, %dma_wait3A_1149] : memref<4096x50x128xf32, #tpu.memory_space<hbm>> -> memref<1x50x128xf32, #tpu.memory_space<hbm>>
        %dma_wait3A_1151 = tpu.memref_squeeze %dma_wait3A_1150 : memref<1x50x128xf32, #tpu.memory_space<hbm>> -> memref<50x128xf32, #tpu.memory_space<hbm>>
        %dma_wait3A_1152 = arith.constant 0 : i32
        %dma_wait3A_1153 = arith.constant 0 : i32
        %dma_wait3A_1154 = tpu.memref_slice %arg4[%mul3A_4, %dma_wait3A_1152, %dma_wait3A_1153] : memref<4096x50x128xf32, #tpu.memory_space<hbm>> -> memref<1x50x128xf32, #tpu.memory_space<hbm>>
        %dma_wait3A_1155 = tpu.memref_squeeze %dma_wait3A_1154 : memref<1x50x128xf32, #tpu.memory_space<hbm>> -> memref<50x128xf32, #tpu.memory_space<hbm>>
        %dma_wait3A_1156 = arith.constant 0 : i32
        %dma_wait3A_1157 = arith.constant 0 : i32
        %dma_wait3A_1158 = tpu.memref_slice %arg6[%dma_wait3A_1156, %dma_wait3A_1157] : memref<200x128xf32, #tpu.memory_space<vmem>> -> memref<50x128xf32, #tpu.memory_space<vmem>>
        tpu.wait_dma2 semaphore(%arg14 : memref<!tpu.dma_semaphore, #tpu.memory_space<semaphore_mem>>) src(%dma_wait3A_1158 : memref<50x128xf32, #tpu.memory_space<vmem>>) dst(%dma_wait3A_1155 : memref<50x128xf32, #tpu.memory_space<hbm>>)
        %add3A_1159 = arith.constant 3 : i32
        %add3A_1160 = arith.addi %add3A_834, %add3A_1159 : i32
        %mul3A_1161 = arith.constant 200 : i32
        %mul3A_1162 = arith.muli %add3A_1160, %mul3A_1161 : i32
        %dma_start3A_1163 = tpu.memref_slice %arg5[%mul3A_1162] : memref<6400xi32, #tpu.memory_space<vmem>> -> memref<200xi32, #tpu.memory_space<vmem>>
        %dma_start3A_1164 = arith.constant 0 : i32
        %dma_start3A_1165 = arith.constant 0 : i32
        %dma_start3A_1166 = tpu.memref_slice %arg3[%dma_start3A_1164, %dma_start3A_1165] : memref<100000x128xf32, #tpu.memory_space<hbm>> -> memref<100000x128xf32, #tpu.memory_space<hbm>>
        tpu.enqueue_indirect_dma source(%dma_start3A_1166 : memref<100000x128xf32, #tpu.memory_space<hbm>>) target(%arg6 : memref<200x128xf32, #tpu.memory_space<vmem>>) offsets(%dma_start3A_1163 : memref<200xi32, #tpu.memory_space<vmem>>) semaphore(%arg10 : memref<!tpu.dma_semaphore, #tpu.memory_space<semaphore_mem>>)
      } else {
      }
      %add3A_923 = arith.constant 2 : i32
      %add3A_924 = arith.addi %mul3A_745, %add3A_923 : i32
      %dma_wait3A_925 = arith.constant 0 : i32
      %dma_wait3A_926 = tpu.memref_slice %arg5[%dma_wait3A_925] : memref<6400xi32, #tpu.memory_space<vmem>> -> memref<200xi32, #tpu.memory_space<vmem>>
      %dma_wait3A_927 = arith.constant 0 : i32
      %dma_wait3A_928 = arith.constant 0 : i32
      %dma_wait3A_929 = tpu.memref_slice %arg3[%dma_wait3A_927, %dma_wait3A_928] : memref<100000x128xf32, #tpu.memory_space<hbm>> -> memref<100000x128xf32, #tpu.memory_space<hbm>>
      tpu.wait_indirect_dma semaphore(%arg12 : memref<!tpu.dma_semaphore, #tpu.memory_space<semaphore_mem>>) src(%dma_wait3A_929 : memref<100000x128xf32, #tpu.memory_space<hbm>>) dst(%arg8 : memref<200x128xf32, #tpu.memory_space<vmem>>)
      %mul3A_930 = arith.constant 4 : i32
      %mul3A_931 = arith.muli %add3A_924, %mul3A_930 : i32
      %add3A_932 = arith.addi %mul3A_4, %mul3A_931 : i32
      %add3A_933 = arith.constant 0 : i32
      %add3A_934 = arith.addi %add3A_932, %add3A_933 : i32
      %dma_start3A_935 = arith.constant 0 : i32
      %dma_start3A_936 = arith.constant 0 : i32
      %dma_start3A_937 = tpu.memref_slice %arg8[%dma_start3A_935, %dma_start3A_936] : memref<200x128xf32, #tpu.memory_space<vmem>> -> memref<50x128xf32, #tpu.memory_space<vmem>>
      %dma_start3A_938 = arith.constant 0 : i32
      %dma_start3A_939 = arith.constant 0 : i32
      %dma_start3A_940 = tpu.memref_slice %arg4[%add3A_934, %dma_start3A_938, %dma_start3A_939] : memref<4096x50x128xf32, #tpu.memory_space<hbm>> -> memref<1x50x128xf32, #tpu.memory_space<hbm>>
      %dma_start3A_941 = tpu.memref_squeeze %dma_start3A_940 : memref<1x50x128xf32, #tpu.memory_space<hbm>> -> memref<50x128xf32, #tpu.memory_space<hbm>>
      %dma_start3A_942 = arith.constant 0 : i32
      %dma_start3A_943 = arith.constant 0 : i32
      %dma_start3A_944 = tpu.memref_slice %arg4[%add3A_934, %dma_start3A_942, %dma_start3A_943] : memref<4096x50x128xf32, #tpu.memory_space<hbm>> -> memref<1x50x128xf32, #tpu.memory_space<hbm>>
      %dma_start3A_945 = tpu.memref_squeeze %dma_start3A_944 : memref<1x50x128xf32, #tpu.memory_space<hbm>> -> memref<50x128xf32, #tpu.memory_space<hbm>>
      %dma_start3A_946 = arith.constant 0 : i32
      %dma_start3A_947 = arith.constant 0 : i32
      %dma_start3A_948 = tpu.memref_slice %arg8[%dma_start3A_946, %dma_start3A_947] : memref<200x128xf32, #tpu.memory_space<vmem>> -> memref<50x128xf32, #tpu.memory_space<vmem>>
      tpu.enqueue_dma source(%dma_start3A_948 : memref<50x128xf32, #tpu.memory_space<vmem>>) target(%dma_start3A_945 : memref<50x128xf32, #tpu.memory_space<hbm>>) target_semaphore(%arg16 : memref<!tpu.dma_semaphore, #tpu.memory_space<semaphore_mem>>)
      %mul3A_949 = arith.constant 4 : i32
      %mul3A_950 = arith.muli %add3A_924, %mul3A_949 : i32
      %add3A_951 = arith.addi %mul3A_4, %mul3A_950 : i32
      %add3A_952 = arith.constant 1 : i32
      %add3A_953 = arith.addi %add3A_951, %add3A_952 : i32
      %dma_start3A_954 = arith.constant 50 : i32
      %dma_start3A_955 = arith.constant 0 : i32
      %dma_start3A_956 = tpu.memref_slice %arg8[%dma_start3A_954, %dma_start3A_955] : memref<200x128xf32, #tpu.memory_space<vmem>> -> memref<50x128xf32, #tpu.memory_space<vmem>>
      %dma_start3A_957 = arith.constant 0 : i32
      %dma_start3A_958 = arith.constant 0 : i32
      %dma_start3A_959 = tpu.memref_slice %arg4[%add3A_953, %dma_start3A_957, %dma_start3A_958] : memref<4096x50x128xf32, #tpu.memory_space<hbm>> -> memref<1x50x128xf32, #tpu.memory_space<hbm>>
      %dma_start3A_960 = tpu.memref_squeeze %dma_start3A_959 : memref<1x50x128xf32, #tpu.memory_space<hbm>> -> memref<50x128xf32, #tpu.memory_space<hbm>>
      %dma_start3A_961 = arith.constant 0 : i32
      %dma_start3A_962 = arith.constant 0 : i32
      %dma_start3A_963 = tpu.memref_slice %arg4[%add3A_953, %dma_start3A_961, %dma_start3A_962] : memref<4096x50x128xf32, #tpu.memory_space<hbm>> -> memref<1x50x128xf32, #tpu.memory_space<hbm>>
      %dma_start3A_964 = tpu.memref_squeeze %dma_start3A_963 : memref<1x50x128xf32, #tpu.memory_space<hbm>> -> memref<50x128xf32, #tpu.memory_space<hbm>>
      %dma_start3A_965 = arith.constant 50 : i32
      %dma_start3A_966 = arith.constant 0 : i32
      %dma_start3A_967 = tpu.memref_slice %arg8[%dma_start3A_965, %dma_start3A_966] : memref<200x128xf32, #tpu.memory_space<vmem>> -> memref<50x128xf32, #tpu.memory_space<vmem>>
      tpu.enqueue_dma source(%dma_start3A_967 : memref<50x128xf32, #tpu.memory_space<vmem>>) target(%dma_start3A_964 : memref<50x128xf32, #tpu.memory_space<hbm>>) target_semaphore(%arg16 : memref<!tpu.dma_semaphore, #tpu.memory_space<semaphore_mem>>)
      %mul3A_968 = arith.constant 4 : i32
      %mul3A_969 = arith.muli %add3A_924, %mul3A_968 : i32
      %add3A_970 = arith.addi %mul3A_4, %mul3A_969 : i32
      %add3A_971 = arith.constant 2 : i32
      %add3A_972 = arith.addi %add3A_970, %add3A_971 : i32
      %dma_start3A_973 = arith.constant 100 : i32
      %dma_start3A_974 = arith.constant 0 : i32
      %dma_start3A_975 = tpu.memref_slice %arg8[%dma_start3A_973, %dma_start3A_974] : memref<200x128xf32, #tpu.memory_space<vmem>> -> memref<50x128xf32, #tpu.memory_space<vmem>>
      %dma_start3A_976 = arith.constant 0 : i32
      %dma_start3A_977 = arith.constant 0 : i32
      %dma_start3A_978 = tpu.memref_slice %arg4[%add3A_972, %dma_start3A_976, %dma_start3A_977] : memref<4096x50x128xf32, #tpu.memory_space<hbm>> -> memref<1x50x128xf32, #tpu.memory_space<hbm>>
      %dma_start3A_979 = tpu.memref_squeeze %dma_start3A_978 : memref<1x50x128xf32, #tpu.memory_space<hbm>> -> memref<50x128xf32, #tpu.memory_space<hbm>>
      %dma_start3A_980 = arith.constant 0 : i32
      %dma_start3A_981 = arith.constant 0 : i32
      %dma_start3A_982 = tpu.memref_slice %arg4[%add3A_972, %dma_start3A_980, %dma_start3A_981] : memref<4096x50x128xf32, #tpu.memory_space<hbm>> -> memref<1x50x128xf32, #tpu.memory_space<hbm>>
      %dma_start3A_983 = tpu.memref_squeeze %dma_start3A_982 : memref<1x50x128xf32, #tpu.memory_space<hbm>> -> memref<50x128xf32, #tpu.memory_space<hbm>>
      %dma_start3A_984 = arith.constant 100 : i32
      %dma_start3A_985 = arith.constant 0 : i32
      %dma_start3A_986 = tpu.memref_slice %arg8[%dma_start3A_984, %dma_start3A_985] : memref<200x128xf32, #tpu.memory_space<vmem>> -> memref<50x128xf32, #tpu.memory_space<vmem>>
      tpu.enqueue_dma source(%dma_start3A_986 : memref<50x128xf32, #tpu.memory_space<vmem>>) target(%dma_start3A_983 : memref<50x128xf32, #tpu.memory_space<hbm>>) target_semaphore(%arg16 : memref<!tpu.dma_semaphore, #tpu.memory_space<semaphore_mem>>)
      %mul3A_987 = arith.constant 4 : i32
      %mul3A_988 = arith.muli %add3A_924, %mul3A_987 : i32
      %add3A_989 = arith.addi %mul3A_4, %mul3A_988 : i32
      %add3A_990 = arith.constant 3 : i32
      %add3A_991 = arith.addi %add3A_989, %add3A_990 : i32
      %dma_start3A_992 = arith.constant 150 : i32
      %dma_start3A_993 = arith.constant 0 : i32
      %dma_start3A_994 = tpu.memref_slice %arg8[%dma_start3A_992, %dma_start3A_993] : memref<200x128xf32, #tpu.memory_space<vmem>> -> memref<50x128xf32, #tpu.memory_space<vmem>>
      %dma_start3A_995 = arith.constant 0 : i32
      %dma_start3A_996 = arith.constant 0 : i32
      %dma_start3A_997 = tpu.memref_slice %arg4[%add3A_991, %dma_start3A_995, %dma_start3A_996] : memref<4096x50x128xf32, #tpu.memory_space<hbm>> -> memref<1x50x128xf32, #tpu.memory_space<hbm>>
      %dma_start3A_998 = tpu.memref_squeeze %dma_start3A_997 : memref<1x50x128xf32, #tpu.memory_space<hbm>> -> memref<50x128xf32, #tpu.memory_space<hbm>>
      %dma_start3A_999 = arith.constant 0 : i32
      %dma_start3A_1000 = arith.constant 0 : i32
      %dma_start3A_1001 = tpu.memref_slice %arg4[%add3A_991, %dma_start3A_999, %dma_start3A_1000] : memref<4096x50x128xf32, #tpu.memory_space<hbm>> -> memref<1x50x128xf32, #tpu.memory_space<hbm>>
      %dma_start3A_1002 = tpu.memref_squeeze %dma_start3A_1001 : memref<1x50x128xf32, #tpu.memory_space<hbm>> -> memref<50x128xf32, #tpu.memory_space<hbm>>
      %dma_start3A_1003 = arith.constant 150 : i32
      %dma_start3A_1004 = arith.constant 0 : i32
      %dma_start3A_1005 = tpu.memref_slice %arg8[%dma_start3A_1003, %dma_start3A_1004] : memref<200x128xf32, #tpu.memory_space<vmem>> -> memref<50x128xf32, #tpu.memory_space<vmem>>
      tpu.enqueue_dma source(%dma_start3A_1005 : memref<50x128xf32, #tpu.memory_space<vmem>>) target(%dma_start3A_1002 : memref<50x128xf32, #tpu.memory_space<hbm>>) target_semaphore(%arg16 : memref<!tpu.dma_semaphore, #tpu.memory_space<semaphore_mem>>)
      %add3A_1006 = arith.constant 3 : i32
      %add3A_1007 = arith.addi %add3A_924, %add3A_1006 : i32
      %lt3A_1008 = arith.constant 32 : i32
      %lt3A_1009 = arith.cmpi slt, %add3A_1007, %lt3A_1008 : i32
      %convert_element_type3A_1010 = arith.extui %lt3A_1009 : i1 to i32
      %cond3A_1011 = arith.constant 0 : i32
      %cond3A_1012 = arith.cmpi ne, %convert_element_type3A_1010, %cond3A_1011 : i32
      scf.if %cond3A_1012 {
        %dma_wait3A_1103 = arith.constant 0 : i32
        %dma_wait3A_1104 = arith.constant 0 : i32
        %dma_wait3A_1105 = tpu.memref_slice %arg7[%dma_wait3A_1103, %dma_wait3A_1104] : memref<200x128xf32, #tpu.memory_space<vmem>> -> memref<50x128xf32, #tpu.memory_space<vmem>>
        %dma_wait3A_1106 = arith.constant 0 : i32
        %dma_wait3A_1107 = arith.constant 0 : i32
        %dma_wait3A_1108 = tpu.memref_slice %arg4[%mul3A_4, %dma_wait3A_1106, %dma_wait3A_1107] : memref<4096x50x128xf32, #tpu.memory_space<hbm>> -> memref<1x50x128xf32, #tpu.memory_space<hbm>>
        %dma_wait3A_1109 = tpu.memref_squeeze %dma_wait3A_1108 : memref<1x50x128xf32, #tpu.memory_space<hbm>> -> memref<50x128xf32, #tpu.memory_space<hbm>>
        %dma_wait3A_1110 = arith.constant 0 : i32
        %dma_wait3A_1111 = arith.constant 0 : i32
        %dma_wait3A_1112 = tpu.memref_slice %arg4[%mul3A_4, %dma_wait3A_1110, %dma_wait3A_1111] : memref<4096x50x128xf32, #tpu.memory_space<hbm>> -> memref<1x50x128xf32, #tpu.memory_space<hbm>>
        %dma_wait3A_1113 = tpu.memref_squeeze %dma_wait3A_1112 : memref<1x50x128xf32, #tpu.memory_space<hbm>> -> memref<50x128xf32, #tpu.memory_space<hbm>>
        %dma_wait3A_1114 = arith.constant 0 : i32
        %dma_wait3A_1115 = arith.constant 0 : i32
        %dma_wait3A_1116 = tpu.memref_slice %arg7[%dma_wait3A_1114, %dma_wait3A_1115] : memref<200x128xf32, #tpu.memory_space<vmem>> -> memref<50x128xf32, #tpu.memory_space<vmem>>
        tpu.wait_dma2 semaphore(%arg15 : memref<!tpu.dma_semaphore, #tpu.memory_space<semaphore_mem>>) src(%dma_wait3A_1116 : memref<50x128xf32, #tpu.memory_space<vmem>>) dst(%dma_wait3A_1113 : memref<50x128xf32, #tpu.memory_space<hbm>>)
        %dma_wait3A_1117 = arith.constant 0 : i32
        %dma_wait3A_1118 = arith.constant 0 : i32
        %dma_wait3A_1119 = tpu.memref_slice %arg7[%dma_wait3A_1117, %dma_wait3A_1118] : memref<200x128xf32, #tpu.memory_space<vmem>> -> memref<50x128xf32, #tpu.memory_space<vmem>>
        %dma_wait3A_1120 = arith.constant 0 : i32
        %dma_wait3A_1121 = arith.constant 0 : i32
        %dma_wait3A_1122 = tpu.memref_slice %arg4[%mul3A_4, %dma_wait3A_1120, %dma_wait3A_1121] : memref<4096x50x128xf32, #tpu.memory_space<hbm>> -> memref<1x50x128xf32, #tpu.memory_space<hbm>>
        %dma_wait3A_1123 = tpu.memref_squeeze %dma_wait3A_1122 : memref<1x50x128xf32, #tpu.memory_space<hbm>> -> memref<50x128xf32, #tpu.memory_space<hbm>>
        %dma_wait3A_1124 = arith.constant 0 : i32
        %dma_wait3A_1125 = arith.constant 0 : i32
        %dma_wait3A_1126 = tpu.memref_slice %arg4[%mul3A_4, %dma_wait3A_1124, %dma_wait3A_1125] : memref<4096x50x128xf32, #tpu.memory_space<hbm>> -> memref<1x50x128xf32, #tpu.memory_space<hbm>>
        %dma_wait3A_1127 = tpu.memref_squeeze %dma_wait3A_1126 : memref<1x50x128xf32, #tpu.memory_space<hbm>> -> memref<50x128xf32, #tpu.memory_space<hbm>>
        %dma_wait3A_1128 = arith.constant 0 : i32
        %dma_wait3A_1129 = arith.constant 0 : i32
        %dma_wait3A_1130 = tpu.memref_slice %arg7[%dma_wait3A_1128, %dma_wait3A_1129] : memref<200x128xf32, #tpu.memory_space<vmem>> -> memref<50x128xf32, #tpu.memory_space<vmem>>
        tpu.wait_dma2 semaphore(%arg15 : memref<!tpu.dma_semaphore, #tpu.memory_space<semaphore_mem>>) src(%dma_wait3A_1130 : memref<50x128xf32, #tpu.memory_space<vmem>>) dst(%dma_wait3A_1127 : memref<50x128xf32, #tpu.memory_space<hbm>>)
        %dma_wait3A_1131 = arith.constant 0 : i32
        %dma_wait3A_1132 = arith.constant 0 : i32
        %dma_wait3A_1133 = tpu.memref_slice %arg7[%dma_wait3A_1131, %dma_wait3A_1132] : memref<200x128xf32, #tpu.memory_space<vmem>> -> memref<50x128xf32, #tpu.memory_space<vmem>>
        %dma_wait3A_1134 = arith.constant 0 : i32
        %dma_wait3A_1135 = arith.constant 0 : i32
        %dma_wait3A_1136 = tpu.memref_slice %arg4[%mul3A_4, %dma_wait3A_1134, %dma_wait3A_1135] : memref<4096x50x128xf32, #tpu.memory_space<hbm>> -> memref<1x50x128xf32, #tpu.memory_space<hbm>>
        %dma_wait3A_1137 = tpu.memref_squeeze %dma_wait3A_1136 : memref<1x50x128xf32, #tpu.memory_space<hbm>> -> memref<50x128xf32, #tpu.memory_space<hbm>>
        %dma_wait3A_1138 = arith.constant 0 : i32
        %dma_wait3A_1139 = arith.constant 0 : i32
        %dma_wait3A_1140 = tpu.memref_slice %arg4[%mul3A_4, %dma_wait3A_1138, %dma_wait3A_1139] : memref<4096x50x128xf32, #tpu.memory_space<hbm>> -> memref<1x50x128xf32, #tpu.memory_space<hbm>>
        %dma_wait3A_1141 = tpu.memref_squeeze %dma_wait3A_1140 : memref<1x50x128xf32, #tpu.memory_space<hbm>> -> memref<50x128xf32, #tpu.memory_space<hbm>>
        %dma_wait3A_1142 = arith.constant 0 : i32
        %dma_wait3A_1143 = arith.constant 0 : i32
        %dma_wait3A_1144 = tpu.memref_slice %arg7[%dma_wait3A_1142, %dma_wait3A_1143] : memref<200x128xf32, #tpu.memory_space<vmem>> -> memref<50x128xf32, #tpu.memory_space<vmem>>
        tpu.wait_dma2 semaphore(%arg15 : memref<!tpu.dma_semaphore, #tpu.memory_space<semaphore_mem>>) src(%dma_wait3A_1144 : memref<50x128xf32, #tpu.memory_space<vmem>>) dst(%dma_wait3A_1141 : memref<50x128xf32, #tpu.memory_space<hbm>>)
        %dma_wait3A_1145 = arith.constant 0 : i32
        %dma_wait3A_1146 = arith.constant 0 : i32
        %dma_wait3A_1147 = tpu.memref_slice %arg7[%dma_wait3A_1145, %dma_wait3A_1146] : memref<200x128xf32, #tpu.memory_space<vmem>> -> memref<50x128xf32, #tpu.memory_space<vmem>>
        %dma_wait3A_1148 = arith.constant 0 : i32
        %dma_wait3A_1149 = arith.constant 0 : i32
        %dma_wait3A_1150 = tpu.memref_slice %arg4[%mul3A_4, %dma_wait3A_1148, %dma_wait3A_1149] : memref<4096x50x128xf32, #tpu.memory_space<hbm>> -> memref<1x50x128xf32, #tpu.memory_space<hbm>>
        %dma_wait3A_1151 = tpu.memref_squeeze %dma_wait3A_1150 : memref<1x50x128xf32, #tpu.memory_space<hbm>> -> memref<50x128xf32, #tpu.memory_space<hbm>>
        %dma_wait3A_1152 = arith.constant 0 : i32
        %dma_wait3A_1153 = arith.constant 0 : i32
        %dma_wait3A_1154 = tpu.memref_slice %arg4[%mul3A_4, %dma_wait3A_1152, %dma_wait3A_1153] : memref<4096x50x128xf32, #tpu.memory_space<hbm>> -> memref<1x50x128xf32, #tpu.memory_space<hbm>>
        %dma_wait3A_1155 = tpu.memref_squeeze %dma_wait3A_1154 : memref<1x50x128xf32, #tpu.memory_space<hbm>> -> memref<50x128xf32, #tpu.memory_space<hbm>>
        %dma_wait3A_1156 = arith.constant 0 : i32
        %dma_wait3A_1157 = arith.constant 0 : i32
        %dma_wait3A_1158 = tpu.memref_slice %arg7[%dma_wait3A_1156, %dma_wait3A_1157] : memref<200x128xf32, #tpu.memory_space<vmem>> -> memref<50x128xf32, #tpu.memory_space<vmem>>
        tpu.wait_dma2 semaphore(%arg15 : memref<!tpu.dma_semaphore, #tpu.memory_space<semaphore_mem>>) src(%dma_wait3A_1158 : memref<50x128xf32, #tpu.memory_space<vmem>>) dst(%dma_wait3A_1155 : memref<50x128xf32, #tpu.memory_space<hbm>>)
        %add3A_1159 = arith.constant 3 : i32
        %add3A_1160 = arith.addi %add3A_924, %add3A_1159 : i32
        %mul3A_1161 = arith.constant 200 : i32
        %mul3A_1162 = arith.muli %add3A_1160, %mul3A_1161 : i32
        %dma_start3A_1163 = tpu.memref_slice %arg5[%mul3A_1162] : memref<6400xi32, #tpu.memory_space<vmem>> -> memref<200xi32, #tpu.memory_space<vmem>>
        %dma_start3A_1164 = arith.constant 0 : i32
        %dma_start3A_1165 = arith.constant 0 : i32
        %dma_start3A_1166 = tpu.memref_slice %arg3[%dma_start3A_1164, %dma_start3A_1165] : memref<100000x128xf32, #tpu.memory_space<hbm>> -> memref<100000x128xf32, #tpu.memory_space<hbm>>
        tpu.enqueue_indirect_dma source(%dma_start3A_1166 : memref<100000x128xf32, #tpu.memory_space<hbm>>) target(%arg7 : memref<200x128xf32, #tpu.memory_space<vmem>>) offsets(%dma_start3A_1163 : memref<200xi32, #tpu.memory_space<vmem>>) semaphore(%arg11 : memref<!tpu.dma_semaphore, #tpu.memory_space<semaphore_mem>>)
      } else {
      }
      %add3A_1013 = arith.constant 3 : i32
      %add3A_1014 = arith.addi %mul3A_745, %add3A_1013 : i32
      %dma_wait3A_1015 = arith.constant 0 : i32
      %dma_wait3A_1016 = tpu.memref_slice %arg5[%dma_wait3A_1015] : memref<6400xi32, #tpu.memory_space<vmem>> -> memref<200xi32, #tpu.memory_space<vmem>>
      %dma_wait3A_1017 = arith.constant 0 : i32
      %dma_wait3A_1018 = arith.constant 0 : i32
      %dma_wait3A_1019 = tpu.memref_slice %arg3[%dma_wait3A_1017, %dma_wait3A_1018] : memref<100000x128xf32, #tpu.memory_space<hbm>> -> memref<100000x128xf32, #tpu.memory_space<hbm>>
      tpu.wait_indirect_dma semaphore(%arg13 : memref<!tpu.dma_semaphore, #tpu.memory_space<semaphore_mem>>) src(%dma_wait3A_1019 : memref<100000x128xf32, #tpu.memory_space<hbm>>) dst(%arg9 : memref<200x128xf32, #tpu.memory_space<vmem>>)
      %mul3A_1020 = arith.constant 4 : i32
      %mul3A_1021 = arith.muli %add3A_1014, %mul3A_1020 : i32
      %add3A_1022 = arith.addi %mul3A_4, %mul3A_1021 : i32
      %add3A_1023 = arith.constant 0 : i32
      %add3A_1024 = arith.addi %add3A_1022, %add3A_1023 : i32
      %dma_start3A_1025 = arith.constant 0 : i32
      %dma_start3A_1026 = arith.constant 0 : i32
      %dma_start3A_1027 = tpu.memref_slice %arg9[%dma_start3A_1025, %dma_start3A_1026] : memref<200x128xf32, #tpu.memory_space<vmem>> -> memref<50x128xf32, #tpu.memory_space<vmem>>
      %dma_start3A_1028 = arith.constant 0 : i32
      %dma_start3A_1029 = arith.constant 0 : i32
      %dma_start3A_1030 = tpu.memref_slice %arg4[%add3A_1024, %dma_start3A_1028, %dma_start3A_1029] : memref<4096x50x128xf32, #tpu.memory_space<hbm>> -> memref<1x50x128xf32, #tpu.memory_space<hbm>>
      %dma_start3A_1031 = tpu.memref_squeeze %dma_start3A_1030 : memref<1x50x128xf32, #tpu.memory_space<hbm>> -> memref<50x128xf32, #tpu.memory_space<hbm>>
      %dma_start3A_1032 = arith.constant 0 : i32
      %dma_start3A_1033 = arith.constant 0 : i32
      %dma_start3A_1034 = tpu.memref_slice %arg4[%add3A_1024, %dma_start3A_1032, %dma_start3A_1033] : memref<4096x50x128xf32, #tpu.memory_space<hbm>> -> memref<1x50x128xf32, #tpu.memory_space<hbm>>
      %dma_start3A_1035 = tpu.memref_squeeze %dma_start3A_1034 : memref<1x50x128xf32, #tpu.memory_space<hbm>> -> memref<50x128xf32, #tpu.memory_space<hbm>>
      %dma_start3A_1036 = arith.constant 0 : i32
      %dma_start3A_1037 = arith.constant 0 : i32
      %dma_start3A_1038 = tpu.memref_slice %arg9[%dma_start3A_1036, %dma_start3A_1037] : memref<200x128xf32, #tpu.memory_space<vmem>> -> memref<50x128xf32, #tpu.memory_space<vmem>>
      tpu.enqueue_dma source(%dma_start3A_1038 : memref<50x128xf32, #tpu.memory_space<vmem>>) target(%dma_start3A_1035 : memref<50x128xf32, #tpu.memory_space<hbm>>) target_semaphore(%arg17 : memref<!tpu.dma_semaphore, #tpu.memory_space<semaphore_mem>>)
      %mul3A_1039 = arith.constant 4 : i32
      %mul3A_1040 = arith.muli %add3A_1014, %mul3A_1039 : i32
      %add3A_1041 = arith.addi %mul3A_4, %mul3A_1040 : i32
      %add3A_1042 = arith.constant 1 : i32
      %add3A_1043 = arith.addi %add3A_1041, %add3A_1042 : i32
      %dma_start3A_1044 = arith.constant 50 : i32
      %dma_start3A_1045 = arith.constant 0 : i32
      %dma_start3A_1046 = tpu.memref_slice %arg9[%dma_start3A_1044, %dma_start3A_1045] : memref<200x128xf32, #tpu.memory_space<vmem>> -> memref<50x128xf32, #tpu.memory_space<vmem>>
      %dma_start3A_1047 = arith.constant 0 : i32
      %dma_start3A_1048 = arith.constant 0 : i32
      %dma_start3A_1049 = tpu.memref_slice %arg4[%add3A_1043, %dma_start3A_1047, %dma_start3A_1048] : memref<4096x50x128xf32, #tpu.memory_space<hbm>> -> memref<1x50x128xf32, #tpu.memory_space<hbm>>
      %dma_start3A_1050 = tpu.memref_squeeze %dma_start3A_1049 : memref<1x50x128xf32, #tpu.memory_space<hbm>> -> memref<50x128xf32, #tpu.memory_space<hbm>>
      %dma_start3A_1051 = arith.constant 0 : i32
      %dma_start3A_1052 = arith.constant 0 : i32
      %dma_start3A_1053 = tpu.memref_slice %arg4[%add3A_1043, %dma_start3A_1051, %dma_start3A_1052] : memref<4096x50x128xf32, #tpu.memory_space<hbm>> -> memref<1x50x128xf32, #tpu.memory_space<hbm>>
      %dma_start3A_1054 = tpu.memref_squeeze %dma_start3A_1053 : memref<1x50x128xf32, #tpu.memory_space<hbm>> -> memref<50x128xf32, #tpu.memory_space<hbm>>
      %dma_start3A_1055 = arith.constant 50 : i32
      %dma_start3A_1056 = arith.constant 0 : i32
      %dma_start3A_1057 = tpu.memref_slice %arg9[%dma_start3A_1055, %dma_start3A_1056] : memref<200x128xf32, #tpu.memory_space<vmem>> -> memref<50x128xf32, #tpu.memory_space<vmem>>
      tpu.enqueue_dma source(%dma_start3A_1057 : memref<50x128xf32, #tpu.memory_space<vmem>>) target(%dma_start3A_1054 : memref<50x128xf32, #tpu.memory_space<hbm>>) target_semaphore(%arg17 : memref<!tpu.dma_semaphore, #tpu.memory_space<semaphore_mem>>)
      %mul3A_1058 = arith.constant 4 : i32
      %mul3A_1059 = arith.muli %add3A_1014, %mul3A_1058 : i32
      %add3A_1060 = arith.addi %mul3A_4, %mul3A_1059 : i32
      %add3A_1061 = arith.constant 2 : i32
      %add3A_1062 = arith.addi %add3A_1060, %add3A_1061 : i32
      %dma_start3A_1063 = arith.constant 100 : i32
      %dma_start3A_1064 = arith.constant 0 : i32
      %dma_start3A_1065 = tpu.memref_slice %arg9[%dma_start3A_1063, %dma_start3A_1064] : memref<200x128xf32, #tpu.memory_space<vmem>> -> memref<50x128xf32, #tpu.memory_space<vmem>>
      %dma_start3A_1066 = arith.constant 0 : i32
      %dma_start3A_1067 = arith.constant 0 : i32
      %dma_start3A_1068 = tpu.memref_slice %arg4[%add3A_1062, %dma_start3A_1066, %dma_start3A_1067] : memref<4096x50x128xf32, #tpu.memory_space<hbm>> -> memref<1x50x128xf32, #tpu.memory_space<hbm>>
      %dma_start3A_1069 = tpu.memref_squeeze %dma_start3A_1068 : memref<1x50x128xf32, #tpu.memory_space<hbm>> -> memref<50x128xf32, #tpu.memory_space<hbm>>
      %dma_start3A_1070 = arith.constant 0 : i32
      %dma_start3A_1071 = arith.constant 0 : i32
      %dma_start3A_1072 = tpu.memref_slice %arg4[%add3A_1062, %dma_start3A_1070, %dma_start3A_1071] : memref<4096x50x128xf32, #tpu.memory_space<hbm>> -> memref<1x50x128xf32, #tpu.memory_space<hbm>>
      %dma_start3A_1073 = tpu.memref_squeeze %dma_start3A_1072 : memref<1x50x128xf32, #tpu.memory_space<hbm>> -> memref<50x128xf32, #tpu.memory_space<hbm>>
      %dma_start3A_1074 = arith.constant 100 : i32
      %dma_start3A_1075 = arith.constant 0 : i32
      %dma_start3A_1076 = tpu.memref_slice %arg9[%dma_start3A_1074, %dma_start3A_1075] : memref<200x128xf32, #tpu.memory_space<vmem>> -> memref<50x128xf32, #tpu.memory_space<vmem>>
      tpu.enqueue_dma source(%dma_start3A_1076 : memref<50x128xf32, #tpu.memory_space<vmem>>) target(%dma_start3A_1073 : memref<50x128xf32, #tpu.memory_space<hbm>>) target_semaphore(%arg17 : memref<!tpu.dma_semaphore, #tpu.memory_space<semaphore_mem>>)
      %mul3A_1077 = arith.constant 4 : i32
      %mul3A_1078 = arith.muli %add3A_1014, %mul3A_1077 : i32
      %add3A_1079 = arith.addi %mul3A_4, %mul3A_1078 : i32
      %add3A_1080 = arith.constant 3 : i32
      %add3A_1081 = arith.addi %add3A_1079, %add3A_1080 : i32
      %dma_start3A_1082 = arith.constant 150 : i32
      %dma_start3A_1083 = arith.constant 0 : i32
      %dma_start3A_1084 = tpu.memref_slice %arg9[%dma_start3A_1082, %dma_start3A_1083] : memref<200x128xf32, #tpu.memory_space<vmem>> -> memref<50x128xf32, #tpu.memory_space<vmem>>
      %dma_start3A_1085 = arith.constant 0 : i32
      %dma_start3A_1086 = arith.constant 0 : i32
      %dma_start3A_1087 = tpu.memref_slice %arg4[%add3A_1081, %dma_start3A_1085, %dma_start3A_1086] : memref<4096x50x128xf32, #tpu.memory_space<hbm>> -> memref<1x50x128xf32, #tpu.memory_space<hbm>>
      %dma_start3A_1088 = tpu.memref_squeeze %dma_start3A_1087 : memref<1x50x128xf32, #tpu.memory_space<hbm>> -> memref<50x128xf32, #tpu.memory_space<hbm>>
      %dma_start3A_1089 = arith.constant 0 : i32
      %dma_start3A_1090 = arith.constant 0 : i32
      %dma_start3A_1091 = tpu.memref_slice %arg4[%add3A_1081, %dma_start3A_1089, %dma_start3A_1090] : memref<4096x50x128xf32, #tpu.memory_space<hbm>> -> memref<1x50x128xf32, #tpu.memory_space<hbm>>
      %dma_start3A_1092 = tpu.memref_squeeze %dma_start3A_1091 : memref<1x50x128xf32, #tpu.memory_space<hbm>> -> memref<50x128xf32, #tpu.memory_space<hbm>>
      %dma_start3A_1093 = arith.constant 150 : i32
      %dma_start3A_1094 = arith.constant 0 : i32
      %dma_start3A_1095 = tpu.memref_slice %arg9[%dma_start3A_1093, %dma_start3A_1094] : memref<200x128xf32, #tpu.memory_space<vmem>> -> memref<50x128xf32, #tpu.memory_space<vmem>>
      tpu.enqueue_dma source(%dma_start3A_1095 : memref<50x128xf32, #tpu.memory_space<vmem>>) target(%dma_start3A_1092 : memref<50x128xf32, #tpu.memory_space<hbm>>) target_semaphore(%arg17 : memref<!tpu.dma_semaphore, #tpu.memory_space<semaphore_mem>>)
      %add3A_1096 = arith.constant 3 : i32
      %add3A_1097 = arith.addi %add3A_1014, %add3A_1096 : i32
      %lt3A_1098 = arith.constant 32 : i32
      %lt3A_1099 = arith.cmpi slt, %add3A_1097, %lt3A_1098 : i32
      %convert_element_type3A_1100 = arith.extui %lt3A_1099 : i1 to i32
      %cond3A_1101 = arith.constant 0 : i32
      %cond3A_1102 = arith.cmpi ne, %convert_element_type3A_1100, %cond3A_1101 : i32
      scf.if %cond3A_1102 {
        %dma_wait3A_1103 = arith.constant 0 : i32
        %dma_wait3A_1104 = arith.constant 0 : i32
        %dma_wait3A_1105 = tpu.memref_slice %arg8[%dma_wait3A_1103, %dma_wait3A_1104] : memref<200x128xf32, #tpu.memory_space<vmem>> -> memref<50x128xf32, #tpu.memory_space<vmem>>
        %dma_wait3A_1106 = arith.constant 0 : i32
        %dma_wait3A_1107 = arith.constant 0 : i32
        %dma_wait3A_1108 = tpu.memref_slice %arg4[%mul3A_4, %dma_wait3A_1106, %dma_wait3A_1107] : memref<4096x50x128xf32, #tpu.memory_space<hbm>> -> memref<1x50x128xf32, #tpu.memory_space<hbm>>
        %dma_wait3A_1109 = tpu.memref_squeeze %dma_wait3A_1108 : memref<1x50x128xf32, #tpu.memory_space<hbm>> -> memref<50x128xf32, #tpu.memory_space<hbm>>
        %dma_wait3A_1110 = arith.constant 0 : i32
        %dma_wait3A_1111 = arith.constant 0 : i32
        %dma_wait3A_1112 = tpu.memref_slice %arg4[%mul3A_4, %dma_wait3A_1110, %dma_wait3A_1111] : memref<4096x50x128xf32, #tpu.memory_space<hbm>> -> memref<1x50x128xf32, #tpu.memory_space<hbm>>
        %dma_wait3A_1113 = tpu.memref_squeeze %dma_wait3A_1112 : memref<1x50x128xf32, #tpu.memory_space<hbm>> -> memref<50x128xf32, #tpu.memory_space<hbm>>
        %dma_wait3A_1114 = arith.constant 0 : i32
        %dma_wait3A_1115 = arith.constant 0 : i32
        %dma_wait3A_1116 = tpu.memref_slice %arg8[%dma_wait3A_1114, %dma_wait3A_1115] : memref<200x128xf32, #tpu.memory_space<vmem>> -> memref<50x128xf32, #tpu.memory_space<vmem>>
        tpu.wait_dma2 semaphore(%arg16 : memref<!tpu.dma_semaphore, #tpu.memory_space<semaphore_mem>>) src(%dma_wait3A_1116 : memref<50x128xf32, #tpu.memory_space<vmem>>) dst(%dma_wait3A_1113 : memref<50x128xf32, #tpu.memory_space<hbm>>)
        %dma_wait3A_1117 = arith.constant 0 : i32
        %dma_wait3A_1118 = arith.constant 0 : i32
        %dma_wait3A_1119 = tpu.memref_slice %arg8[%dma_wait3A_1117, %dma_wait3A_1118] : memref<200x128xf32, #tpu.memory_space<vmem>> -> memref<50x128xf32, #tpu.memory_space<vmem>>
        %dma_wait3A_1120 = arith.constant 0 : i32
        %dma_wait3A_1121 = arith.constant 0 : i32
        %dma_wait3A_1122 = tpu.memref_slice %arg4[%mul3A_4, %dma_wait3A_1120, %dma_wait3A_1121] : memref<4096x50x128xf32, #tpu.memory_space<hbm>> -> memref<1x50x128xf32, #tpu.memory_space<hbm>>
        %dma_wait3A_1123 = tpu.memref_squeeze %dma_wait3A_1122 : memref<1x50x128xf32, #tpu.memory_space<hbm>> -> memref<50x128xf32, #tpu.memory_space<hbm>>
        %dma_wait3A_1124 = arith.constant 0 : i32
        %dma_wait3A_1125 = arith.constant 0 : i32
        %dma_wait3A_1126 = tpu.memref_slice %arg4[%mul3A_4, %dma_wait3A_1124, %dma_wait3A_1125] : memref<4096x50x128xf32, #tpu.memory_space<hbm>> -> memref<1x50x128xf32, #tpu.memory_space<hbm>>
        %dma_wait3A_1127 = tpu.memref_squeeze %dma_wait3A_1126 : memref<1x50x128xf32, #tpu.memory_space<hbm>> -> memref<50x128xf32, #tpu.memory_space<hbm>>
        %dma_wait3A_1128 = arith.constant 0 : i32
        %dma_wait3A_1129 = arith.constant 0 : i32
        %dma_wait3A_1130 = tpu.memref_slice %arg8[%dma_wait3A_1128, %dma_wait3A_1129] : memref<200x128xf32, #tpu.memory_space<vmem>> -> memref<50x128xf32, #tpu.memory_space<vmem>>
        tpu.wait_dma2 semaphore(%arg16 : memref<!tpu.dma_semaphore, #tpu.memory_space<semaphore_mem>>) src(%dma_wait3A_1130 : memref<50x128xf32, #tpu.memory_space<vmem>>) dst(%dma_wait3A_1127 : memref<50x128xf32, #tpu.memory_space<hbm>>)
        %dma_wait3A_1131 = arith.constant 0 : i32
        %dma_wait3A_1132 = arith.constant 0 : i32
        %dma_wait3A_1133 = tpu.memref_slice %arg8[%dma_wait3A_1131, %dma_wait3A_1132] : memref<200x128xf32, #tpu.memory_space<vmem>> -> memref<50x128xf32, #tpu.memory_space<vmem>>
        %dma_wait3A_1134 = arith.constant 0 : i32
        %dma_wait3A_1135 = arith.constant 0 : i32
        %dma_wait3A_1136 = tpu.memref_slice %arg4[%mul3A_4, %dma_wait3A_1134, %dma_wait3A_1135] : memref<4096x50x128xf32, #tpu.memory_space<hbm>> -> memref<1x50x128xf32, #tpu.memory_space<hbm>>
        %dma_wait3A_1137 = tpu.memref_squeeze %dma_wait3A_1136 : memref<1x50x128xf32, #tpu.memory_space<hbm>> -> memref<50x128xf32, #tpu.memory_space<hbm>>
        %dma_wait3A_1138 = arith.constant 0 : i32
        %dma_wait3A_1139 = arith.constant 0 : i32
        %dma_wait3A_1140 = tpu.memref_slice %arg4[%mul3A_4, %dma_wait3A_1138, %dma_wait3A_1139] : memref<4096x50x128xf32, #tpu.memory_space<hbm>> -> memref<1x50x128xf32, #tpu.memory_space<hbm>>
        %dma_wait3A_1141 = tpu.memref_squeeze %dma_wait3A_1140 : memref<1x50x128xf32, #tpu.memory_space<hbm>> -> memref<50x128xf32, #tpu.memory_space<hbm>>
        %dma_wait3A_1142 = arith.constant 0 : i32
        %dma_wait3A_1143 = arith.constant 0 : i32
        %dma_wait3A_1144 = tpu.memref_slice %arg8[%dma_wait3A_1142, %dma_wait3A_1143] : memref<200x128xf32, #tpu.memory_space<vmem>> -> memref<50x128xf32, #tpu.memory_space<vmem>>
        tpu.wait_dma2 semaphore(%arg16 : memref<!tpu.dma_semaphore, #tpu.memory_space<semaphore_mem>>) src(%dma_wait3A_1144 : memref<50x128xf32, #tpu.memory_space<vmem>>) dst(%dma_wait3A_1141 : memref<50x128xf32, #tpu.memory_space<hbm>>)
        %dma_wait3A_1145 = arith.constant 0 : i32
        %dma_wait3A_1146 = arith.constant 0 : i32
        %dma_wait3A_1147 = tpu.memref_slice %arg8[%dma_wait3A_1145, %dma_wait3A_1146] : memref<200x128xf32, #tpu.memory_space<vmem>> -> memref<50x128xf32, #tpu.memory_space<vmem>>
        %dma_wait3A_1148 = arith.constant 0 : i32
        %dma_wait3A_1149 = arith.constant 0 : i32
        %dma_wait3A_1150 = tpu.memref_slice %arg4[%mul3A_4, %dma_wait3A_1148, %dma_wait3A_1149] : memref<4096x50x128xf32, #tpu.memory_space<hbm>> -> memref<1x50x128xf32, #tpu.memory_space<hbm>>
        %dma_wait3A_1151 = tpu.memref_squeeze %dma_wait3A_1150 : memref<1x50x128xf32, #tpu.memory_space<hbm>> -> memref<50x128xf32, #tpu.memory_space<hbm>>
        %dma_wait3A_1152 = arith.constant 0 : i32
        %dma_wait3A_1153 = arith.constant 0 : i32
        %dma_wait3A_1154 = tpu.memref_slice %arg4[%mul3A_4, %dma_wait3A_1152, %dma_wait3A_1153] : memref<4096x50x128xf32, #tpu.memory_space<hbm>> -> memref<1x50x128xf32, #tpu.memory_space<hbm>>
        %dma_wait3A_1155 = tpu.memref_squeeze %dma_wait3A_1154 : memref<1x50x128xf32, #tpu.memory_space<hbm>> -> memref<50x128xf32, #tpu.memory_space<hbm>>
        %dma_wait3A_1156 = arith.constant 0 : i32
        %dma_wait3A_1157 = arith.constant 0 : i32
        %dma_wait3A_1158 = tpu.memref_slice %arg8[%dma_wait3A_1156, %dma_wait3A_1157] : memref<200x128xf32, #tpu.memory_space<vmem>> -> memref<50x128xf32, #tpu.memory_space<vmem>>
        tpu.wait_dma2 semaphore(%arg16 : memref<!tpu.dma_semaphore, #tpu.memory_space<semaphore_mem>>) src(%dma_wait3A_1158 : memref<50x128xf32, #tpu.memory_space<vmem>>) dst(%dma_wait3A_1155 : memref<50x128xf32, #tpu.memory_space<hbm>>)
        %add3A_1159 = arith.constant 3 : i32
        %add3A_1160 = arith.addi %add3A_1014, %add3A_1159 : i32
        %mul3A_1161 = arith.constant 200 : i32
        %mul3A_1162 = arith.muli %add3A_1160, %mul3A_1161 : i32
        %dma_start3A_1163 = tpu.memref_slice %arg5[%mul3A_1162] : memref<6400xi32, #tpu.memory_space<vmem>> -> memref<200xi32, #tpu.memory_space<vmem>>
        %dma_start3A_1164 = arith.constant 0 : i32
        %dma_start3A_1165 = arith.constant 0 : i32
        %dma_start3A_1166 = tpu.memref_slice %arg3[%dma_start3A_1164, %dma_start3A_1165] : memref<100000x128xf32, #tpu.memory_space<hbm>> -> memref<100000x128xf32, #tpu.memory_space<hbm>>
        tpu.enqueue_indirect_dma source(%dma_start3A_1166 : memref<100000x128xf32, #tpu.memory_space<hbm>>) target(%arg8 : memref<200x128xf32, #tpu.memory_space<vmem>>) offsets(%dma_start3A_1163 : memref<200xi32, #tpu.memory_space<vmem>>) semaphore(%arg12 : memref<!tpu.dma_semaphore, #tpu.memory_space<semaphore_mem>>)
      } else {
      }
    }
    %scan3A_518 = arith.constant 7 : i32
    %dma_wait3A_519 = arith.constant 0 : i32
    %dma_wait3A_520 = arith.constant 0 : i32
    %dma_wait3A_521 = tpu.memref_slice %arg6[%dma_wait3A_519, %dma_wait3A_520] : memref<200x128xf32, #tpu.memory_space<vmem>> -> memref<50x128xf32, #tpu.memory_space<vmem>>
    %dma_wait3A_522 = arith.constant 0 : i32
    %dma_wait3A_523 = arith.constant 0 : i32
    %dma_wait3A_524 = tpu.memref_slice %arg4[%mul3A_4, %dma_wait3A_522, %dma_wait3A_523] : memref<4096x50x128xf32, #tpu.memory_space<hbm>> -> memref<1x50x128xf32, #tpu.memory_space<hbm>>
    %dma_wait3A_525 = tpu.memref_squeeze %dma_wait3A_524 : memref<1x50x128xf32, #tpu.memory_space<hbm>> -> memref<50x128xf32, #tpu.memory_space<hbm>>
    %dma_wait3A_526 = arith.constant 0 : i32
    %dma_wait3A_527 = arith.constant 0 : i32
    %dma_wait3A_528 = tpu.memref_slice %arg4[%mul3A_4, %dma_wait3A_526, %dma_wait3A_527] : memref<4096x50x128xf32, #tpu.memory_space<hbm>> -> memref<1x50x128xf32, #tpu.memory_space<hbm>>
    %dma_wait3A_529 = tpu.memref_squeeze %dma_wait3A_528 : memref<1x50x128xf32, #tpu.memory_space<hbm>> -> memref<50x128xf32, #tpu.memory_space<hbm>>
    %dma_wait3A_530 = arith.constant 0 : i32
    %dma_wait3A_531 = arith.constant 0 : i32
    %dma_wait3A_532 = tpu.memref_slice %arg6[%dma_wait3A_530, %dma_wait3A_531] : memref<200x128xf32, #tpu.memory_space<vmem>> -> memref<50x128xf32, #tpu.memory_space<vmem>>
    tpu.wait_dma2 semaphore(%arg14 : memref<!tpu.dma_semaphore, #tpu.memory_space<semaphore_mem>>) src(%dma_wait3A_532 : memref<50x128xf32, #tpu.memory_space<vmem>>) dst(%dma_wait3A_529 : memref<50x128xf32, #tpu.memory_space<hbm>>)
    %dma_wait3A_533 = arith.constant 0 : i32
    %dma_wait3A_534 = arith.constant 0 : i32
    %dma_wait3A_535 = tpu.memref_slice %arg6[%dma_wait3A_533, %dma_wait3A_534] : memref<200x128xf32, #tpu.memory_space<vmem>> -> memref<50x128xf32, #tpu.memory_space<vmem>>
    %dma_wait3A_536 = arith.constant 0 : i32
    %dma_wait3A_537 = arith.constant 0 : i32
    %dma_wait3A_538 = tpu.memref_slice %arg4[%mul3A_4, %dma_wait3A_536, %dma_wait3A_537] : memref<4096x50x128xf32, #tpu.memory_space<hbm>> -> memref<1x50x128xf32, #tpu.memory_space<hbm>>
    %dma_wait3A_539 = tpu.memref_squeeze %dma_wait3A_538 : memref<1x50x128xf32, #tpu.memory_space<hbm>> -> memref<50x128xf32, #tpu.memory_space<hbm>>
    %dma_wait3A_540 = arith.constant 0 : i32
    %dma_wait3A_541 = arith.constant 0 : i32
    %dma_wait3A_542 = tpu.memref_slice %arg4[%mul3A_4, %dma_wait3A_540, %dma_wait3A_541] : memref<4096x50x128xf32, #tpu.memory_space<hbm>> -> memref<1x50x128xf32, #tpu.memory_space<hbm>>
    %dma_wait3A_543 = tpu.memref_squeeze %dma_wait3A_542 : memref<1x50x128xf32, #tpu.memory_space<hbm>> -> memref<50x128xf32, #tpu.memory_space<hbm>>
    %dma_wait3A_544 = arith.constant 0 : i32
    %dma_wait3A_545 = arith.constant 0 : i32
    %dma_wait3A_546 = tpu.memref_slice %arg6[%dma_wait3A_544, %dma_wait3A_545] : memref<200x128xf32, #tpu.memory_space<vmem>> -> memref<50x128xf32, #tpu.memory_space<vmem>>
    tpu.wait_dma2 semaphore(%arg14 : memref<!tpu.dma_semaphore, #tpu.memory_space<semaphore_mem>>) src(%dma_wait3A_546 : memref<50x128xf32, #tpu.memory_space<vmem>>) dst(%dma_wait3A_543 : memref<50x128xf32, #tpu.memory_space<hbm>>)
    %dma_wait3A_547 = arith.constant 0 : i32
    %dma_wait3A_548 = arith.constant 0 : i32
    %dma_wait3A_549 = tpu.memref_slice %arg6[%dma_wait3A_547, %dma_wait3A_548] : memref<200x128xf32, #tpu.memory_space<vmem>> -> memref<50x128xf32, #tpu.memory_space<vmem>>
    %dma_wait3A_550 = arith.constant 0 : i32
    %dma_wait3A_551 = arith.constant 0 : i32
    %dma_wait3A_552 = tpu.memref_slice %arg4[%mul3A_4, %dma_wait3A_550, %dma_wait3A_551] : memref<4096x50x128xf32, #tpu.memory_space<hbm>> -> memref<1x50x128xf32, #tpu.memory_space<hbm>>
    %dma_wait3A_553 = tpu.memref_squeeze %dma_wait3A_552 : memref<1x50x128xf32, #tpu.memory_space<hbm>> -> memref<50x128xf32, #tpu.memory_space<hbm>>
    %dma_wait3A_554 = arith.constant 0 : i32
    %dma_wait3A_555 = arith.constant 0 : i32
    %dma_wait3A_556 = tpu.memref_slice %arg4[%mul3A_4, %dma_wait3A_554, %dma_wait3A_555] : memref<4096x50x128xf32, #tpu.memory_space<hbm>> -> memref<1x50x128xf32, #tpu.memory_space<hbm>>
    %dma_wait3A_557 = tpu.memref_squeeze %dma_wait3A_556 : memref<1x50x128xf32, #tpu.memory_space<hbm>> -> memref<50x128xf32, #tpu.memory_space<hbm>>
    %dma_wait3A_558 = arith.constant 0 : i32
    %dma_wait3A_559 = arith.constant 0 : i32
    %dma_wait3A_560 = tpu.memref_slice %arg6[%dma_wait3A_558, %dma_wait3A_559] : memref<200x128xf32, #tpu.memory_space<vmem>> -> memref<50x128xf32, #tpu.memory_space<vmem>>
    tpu.wait_dma2 semaphore(%arg14 : memref<!tpu.dma_semaphore, #tpu.memory_space<semaphore_mem>>) src(%dma_wait3A_560 : memref<50x128xf32, #tpu.memory_space<vmem>>) dst(%dma_wait3A_557 : memref<50x128xf32, #tpu.memory_space<hbm>>)
    %dma_wait3A_561 = arith.constant 0 : i32
    %dma_wait3A_562 = arith.constant 0 : i32
    %dma_wait3A_563 = tpu.memref_slice %arg6[%dma_wait3A_561, %dma_wait3A_562] : memref<200x128xf32, #tpu.memory_space<vmem>> -> memref<50x128xf32, #tpu.memory_space<vmem>>
    %dma_wait3A_564 = arith.constant 0 : i32
    %dma_wait3A_565 = arith.constant 0 : i32
    %dma_wait3A_566 = tpu.memref_slice %arg4[%mul3A_4, %dma_wait3A_564, %dma_wait3A_565] : memref<4096x50x128xf32, #tpu.memory_space<hbm>> -> memref<1x50x128xf32, #tpu.memory_space<hbm>>
    %dma_wait3A_567 = tpu.memref_squeeze %dma_wait3A_566 : memref<1x50x128xf32, #tpu.memory_space<hbm>> -> memref<50x128xf32, #tpu.memory_space<hbm>>
    %dma_wait3A_568 = arith.constant 0 : i32
    %dma_wait3A_569 = arith.constant 0 : i32
    %dma_wait3A_570 = tpu.memref_slice %arg4[%mul3A_4, %dma_wait3A_568, %dma_wait3A_569] : memref<4096x50x128xf32, #tpu.memory_space<hbm>> -> memref<1x50x128xf32, #tpu.memory_space<hbm>>
    %dma_wait3A_571 = tpu.memref_squeeze %dma_wait3A_570 : memref<1x50x128xf32, #tpu.memory_space<hbm>> -> memref<50x128xf32, #tpu.memory_space<hbm>>
    %dma_wait3A_572 = arith.constant 0 : i32
    %dma_wait3A_573 = arith.constant 0 : i32
    %dma_wait3A_574 = tpu.memref_slice %arg6[%dma_wait3A_572, %dma_wait3A_573] : memref<200x128xf32, #tpu.memory_space<vmem>> -> memref<50x128xf32, #tpu.memory_space<vmem>>
    tpu.wait_dma2 semaphore(%arg14 : memref<!tpu.dma_semaphore, #tpu.memory_space<semaphore_mem>>) src(%dma_wait3A_574 : memref<50x128xf32, #tpu.memory_space<vmem>>) dst(%dma_wait3A_571 : memref<50x128xf32, #tpu.memory_space<hbm>>)
    %dma_wait3A_575 = arith.constant 0 : i32
    %dma_wait3A_576 = arith.constant 0 : i32
    %dma_wait3A_577 = tpu.memref_slice %arg7[%dma_wait3A_575, %dma_wait3A_576] : memref<200x128xf32, #tpu.memory_space<vmem>> -> memref<50x128xf32, #tpu.memory_space<vmem>>
    %dma_wait3A_578 = arith.constant 0 : i32
    %dma_wait3A_579 = arith.constant 0 : i32
    %dma_wait3A_580 = tpu.memref_slice %arg4[%mul3A_4, %dma_wait3A_578, %dma_wait3A_579] : memref<4096x50x128xf32, #tpu.memory_space<hbm>> -> memref<1x50x128xf32, #tpu.memory_space<hbm>>
    %dma_wait3A_581 = tpu.memref_squeeze %dma_wait3A_580 : memref<1x50x128xf32, #tpu.memory_space<hbm>> -> memref<50x128xf32, #tpu.memory_space<hbm>>
    %dma_wait3A_582 = arith.constant 0 : i32
    %dma_wait3A_583 = arith.constant 0 : i32
    %dma_wait3A_584 = tpu.memref_slice %arg4[%mul3A_4, %dma_wait3A_582, %dma_wait3A_583] : memref<4096x50x128xf32, #tpu.memory_space<hbm>> -> memref<1x50x128xf32, #tpu.memory_space<hbm>>
    %dma_wait3A_585 = tpu.memref_squeeze %dma_wait3A_584 : memref<1x50x128xf32, #tpu.memory_space<hbm>> -> memref<50x128xf32, #tpu.memory_space<hbm>>
    %dma_wait3A_586 = arith.constant 0 : i32
    %dma_wait3A_587 = arith.constant 0 : i32
    %dma_wait3A_588 = tpu.memref_slice %arg7[%dma_wait3A_586, %dma_wait3A_587] : memref<200x128xf32, #tpu.memory_space<vmem>> -> memref<50x128xf32, #tpu.memory_space<vmem>>
    tpu.wait_dma2 semaphore(%arg15 : memref<!tpu.dma_semaphore, #tpu.memory_space<semaphore_mem>>) src(%dma_wait3A_588 : memref<50x128xf32, #tpu.memory_space<vmem>>) dst(%dma_wait3A_585 : memref<50x128xf32, #tpu.memory_space<hbm>>)
    %dma_wait3A_589 = arith.constant 0 : i32
    %dma_wait3A_590 = arith.constant 0 : i32
    %dma_wait3A_591 = tpu.memref_slice %arg7[%dma_wait3A_589, %dma_wait3A_590] : memref<200x128xf32, #tpu.memory_space<vmem>> -> memref<50x128xf32, #tpu.memory_space<vmem>>
    %dma_wait3A_592 = arith.constant 0 : i32
    %dma_wait3A_593 = arith.constant 0 : i32
    %dma_wait3A_594 = tpu.memref_slice %arg4[%mul3A_4, %dma_wait3A_592, %dma_wait3A_593] : memref<4096x50x128xf32, #tpu.memory_space<hbm>> -> memref<1x50x128xf32, #tpu.memory_space<hbm>>
    %dma_wait3A_595 = tpu.memref_squeeze %dma_wait3A_594 : memref<1x50x128xf32, #tpu.memory_space<hbm>> -> memref<50x128xf32, #tpu.memory_space<hbm>>
    %dma_wait3A_596 = arith.constant 0 : i32
    %dma_wait3A_597 = arith.constant 0 : i32
    %dma_wait3A_598 = tpu.memref_slice %arg4[%mul3A_4, %dma_wait3A_596, %dma_wait3A_597] : memref<4096x50x128xf32, #tpu.memory_space<hbm>> -> memref<1x50x128xf32, #tpu.memory_space<hbm>>
    %dma_wait3A_599 = tpu.memref_squeeze %dma_wait3A_598 : memref<1x50x128xf32, #tpu.memory_space<hbm>> -> memref<50x128xf32, #tpu.memory_space<hbm>>
    %dma_wait3A_600 = arith.constant 0 : i32
    %dma_wait3A_601 = arith.constant 0 : i32
    %dma_wait3A_602 = tpu.memref_slice %arg7[%dma_wait3A_600, %dma_wait3A_601] : memref<200x128xf32, #tpu.memory_space<vmem>> -> memref<50x128xf32, #tpu.memory_space<vmem>>
    tpu.wait_dma2 semaphore(%arg15 : memref<!tpu.dma_semaphore, #tpu.memory_space<semaphore_mem>>) src(%dma_wait3A_602 : memref<50x128xf32, #tpu.memory_space<vmem>>) dst(%dma_wait3A_599 : memref<50x128xf32, #tpu.memory_space<hbm>>)
    %dma_wait3A_603 = arith.constant 0 : i32
    %dma_wait3A_604 = arith.constant 0 : i32
    %dma_wait3A_605 = tpu.memref_slice %arg7[%dma_wait3A_603, %dma_wait3A_604] : memref<200x128xf32, #tpu.memory_space<vmem>> -> memref<50x128xf32, #tpu.memory_space<vmem>>
    %dma_wait3A_606 = arith.constant 0 : i32
    %dma_wait3A_607 = arith.constant 0 : i32
    %dma_wait3A_608 = tpu.memref_slice %arg4[%mul3A_4, %dma_wait3A_606, %dma_wait3A_607] : memref<4096x50x128xf32, #tpu.memory_space<hbm>> -> memref<1x50x128xf32, #tpu.memory_space<hbm>>
    %dma_wait3A_609 = tpu.memref_squeeze %dma_wait3A_608 : memref<1x50x128xf32, #tpu.memory_space<hbm>> -> memref<50x128xf32, #tpu.memory_space<hbm>>
    %dma_wait3A_610 = arith.constant 0 : i32
    %dma_wait3A_611 = arith.constant 0 : i32
    %dma_wait3A_612 = tpu.memref_slice %arg4[%mul3A_4, %dma_wait3A_610, %dma_wait3A_611] : memref<4096x50x128xf32, #tpu.memory_space<hbm>> -> memref<1x50x128xf32, #tpu.memory_space<hbm>>
    %dma_wait3A_613 = tpu.memref_squeeze %dma_wait3A_612 : memref<1x50x128xf32, #tpu.memory_space<hbm>> -> memref<50x128xf32, #tpu.memory_space<hbm>>
    %dma_wait3A_614 = arith.constant 0 : i32
    %dma_wait3A_615 = arith.constant 0 : i32
    %dma_wait3A_616 = tpu.memref_slice %arg7[%dma_wait3A_614, %dma_wait3A_615] : memref<200x128xf32, #tpu.memory_space<vmem>> -> memref<50x128xf32, #tpu.memory_space<vmem>>
    tpu.wait_dma2 semaphore(%arg15 : memref<!tpu.dma_semaphore, #tpu.memory_space<semaphore_mem>>) src(%dma_wait3A_616 : memref<50x128xf32, #tpu.memory_space<vmem>>) dst(%dma_wait3A_613 : memref<50x128xf32, #tpu.memory_space<hbm>>)
    %dma_wait3A_617 = arith.constant 0 : i32
    %dma_wait3A_618 = arith.constant 0 : i32
    %dma_wait3A_619 = tpu.memref_slice %arg7[%dma_wait3A_617, %dma_wait3A_618] : memref<200x128xf32, #tpu.memory_space<vmem>> -> memref<50x128xf32, #tpu.memory_space<vmem>>
    %dma_wait3A_620 = arith.constant 0 : i32
    %dma_wait3A_621 = arith.constant 0 : i32
    %dma_wait3A_622 = tpu.memref_slice %arg4[%mul3A_4, %dma_wait3A_620, %dma_wait3A_621] : memref<4096x50x128xf32, #tpu.memory_space<hbm>> -> memref<1x50x128xf32, #tpu.memory_space<hbm>>
    %dma_wait3A_623 = tpu.memref_squeeze %dma_wait3A_622 : memref<1x50x128xf32, #tpu.memory_space<hbm>> -> memref<50x128xf32, #tpu.memory_space<hbm>>
    %dma_wait3A_624 = arith.constant 0 : i32
    %dma_wait3A_625 = arith.constant 0 : i32
    %dma_wait3A_626 = tpu.memref_slice %arg4[%mul3A_4, %dma_wait3A_624, %dma_wait3A_625] : memref<4096x50x128xf32, #tpu.memory_space<hbm>> -> memref<1x50x128xf32, #tpu.memory_space<hbm>>
    %dma_wait3A_627 = tpu.memref_squeeze %dma_wait3A_626 : memref<1x50x128xf32, #tpu.memory_space<hbm>> -> memref<50x128xf32, #tpu.memory_space<hbm>>
    %dma_wait3A_628 = arith.constant 0 : i32
    %dma_wait3A_629 = arith.constant 0 : i32
    %dma_wait3A_630 = tpu.memref_slice %arg7[%dma_wait3A_628, %dma_wait3A_629] : memref<200x128xf32, #tpu.memory_space<vmem>> -> memref<50x128xf32, #tpu.memory_space<vmem>>
    tpu.wait_dma2 semaphore(%arg15 : memref<!tpu.dma_semaphore, #tpu.memory_space<semaphore_mem>>) src(%dma_wait3A_630 : memref<50x128xf32, #tpu.memory_space<vmem>>) dst(%dma_wait3A_627 : memref<50x128xf32, #tpu.memory_space<hbm>>)
    %dma_wait3A_631 = arith.constant 0 : i32
    %dma_wait3A_632 = arith.constant 0 : i32
    %dma_wait3A_633 = tpu.memref_slice %arg8[%dma_wait3A_631, %dma_wait3A_632] : memref<200x128xf32, #tpu.memory_space<vmem>> -> memref<50x128xf32, #tpu.memory_space<vmem>>
    %dma_wait3A_634 = arith.constant 0 : i32
    %dma_wait3A_635 = arith.constant 0 : i32
    %dma_wait3A_636 = tpu.memref_slice %arg4[%mul3A_4, %dma_wait3A_634, %dma_wait3A_635] : memref<4096x50x128xf32, #tpu.memory_space<hbm>> -> memref<1x50x128xf32, #tpu.memory_space<hbm>>
    %dma_wait3A_637 = tpu.memref_squeeze %dma_wait3A_636 : memref<1x50x128xf32, #tpu.memory_space<hbm>> -> memref<50x128xf32, #tpu.memory_space<hbm>>
    %dma_wait3A_638 = arith.constant 0 : i32
    %dma_wait3A_639 = arith.constant 0 : i32
    %dma_wait3A_640 = tpu.memref_slice %arg4[%mul3A_4, %dma_wait3A_638, %dma_wait3A_639] : memref<4096x50x128xf32, #tpu.memory_space<hbm>> -> memref<1x50x128xf32, #tpu.memory_space<hbm>>
    %dma_wait3A_641 = tpu.memref_squeeze %dma_wait3A_640 : memref<1x50x128xf32, #tpu.memory_space<hbm>> -> memref<50x128xf32, #tpu.memory_space<hbm>>
    %dma_wait3A_642 = arith.constant 0 : i32
    %dma_wait3A_643 = arith.constant 0 : i32
    %dma_wait3A_644 = tpu.memref_slice %arg8[%dma_wait3A_642, %dma_wait3A_643] : memref<200x128xf32, #tpu.memory_space<vmem>> -> memref<50x128xf32, #tpu.memory_space<vmem>>
    tpu.wait_dma2 semaphore(%arg16 : memref<!tpu.dma_semaphore, #tpu.memory_space<semaphore_mem>>) src(%dma_wait3A_644 : memref<50x128xf32, #tpu.memory_space<vmem>>) dst(%dma_wait3A_641 : memref<50x128xf32, #tpu.memory_space<hbm>>)
    %dma_wait3A_645 = arith.constant 0 : i32
    %dma_wait3A_646 = arith.constant 0 : i32
    %dma_wait3A_647 = tpu.memref_slice %arg8[%dma_wait3A_645, %dma_wait3A_646] : memref<200x128xf32, #tpu.memory_space<vmem>> -> memref<50x128xf32, #tpu.memory_space<vmem>>
    %dma_wait3A_648 = arith.constant 0 : i32
    %dma_wait3A_649 = arith.constant 0 : i32
    %dma_wait3A_650 = tpu.memref_slice %arg4[%mul3A_4, %dma_wait3A_648, %dma_wait3A_649] : memref<4096x50x128xf32, #tpu.memory_space<hbm>> -> memref<1x50x128xf32, #tpu.memory_space<hbm>>
    %dma_wait3A_651 = tpu.memref_squeeze %dma_wait3A_650 : memref<1x50x128xf32, #tpu.memory_space<hbm>> -> memref<50x128xf32, #tpu.memory_space<hbm>>
    %dma_wait3A_652 = arith.constant 0 : i32
    %dma_wait3A_653 = arith.constant 0 : i32
    %dma_wait3A_654 = tpu.memref_slice %arg4[%mul3A_4, %dma_wait3A_652, %dma_wait3A_653] : memref<4096x50x128xf32, #tpu.memory_space<hbm>> -> memref<1x50x128xf32, #tpu.memory_space<hbm>>
    %dma_wait3A_655 = tpu.memref_squeeze %dma_wait3A_654 : memref<1x50x128xf32, #tpu.memory_space<hbm>> -> memref<50x128xf32, #tpu.memory_space<hbm>>
    %dma_wait3A_656 = arith.constant 0 : i32
    %dma_wait3A_657 = arith.constant 0 : i32
    %dma_wait3A_658 = tpu.memref_slice %arg8[%dma_wait3A_656, %dma_wait3A_657] : memref<200x128xf32, #tpu.memory_space<vmem>> -> memref<50x128xf32, #tpu.memory_space<vmem>>
    tpu.wait_dma2 semaphore(%arg16 : memref<!tpu.dma_semaphore, #tpu.memory_space<semaphore_mem>>) src(%dma_wait3A_658 : memref<50x128xf32, #tpu.memory_space<vmem>>) dst(%dma_wait3A_655 : memref<50x128xf32, #tpu.memory_space<hbm>>)
    %dma_wait3A_659 = arith.constant 0 : i32
    %dma_wait3A_660 = arith.constant 0 : i32
    %dma_wait3A_661 = tpu.memref_slice %arg8[%dma_wait3A_659, %dma_wait3A_660] : memref<200x128xf32, #tpu.memory_space<vmem>> -> memref<50x128xf32, #tpu.memory_space<vmem>>
    %dma_wait3A_662 = arith.constant 0 : i32
    %dma_wait3A_663 = arith.constant 0 : i32
    %dma_wait3A_664 = tpu.memref_slice %arg4[%mul3A_4, %dma_wait3A_662, %dma_wait3A_663] : memref<4096x50x128xf32, #tpu.memory_space<hbm>> -> memref<1x50x128xf32, #tpu.memory_space<hbm>>
    %dma_wait3A_665 = tpu.memref_squeeze %dma_wait3A_664 : memref<1x50x128xf32, #tpu.memory_space<hbm>> -> memref<50x128xf32, #tpu.memory_space<hbm>>
    %dma_wait3A_666 = arith.constant 0 : i32
    %dma_wait3A_667 = arith.constant 0 : i32
    %dma_wait3A_668 = tpu.memref_slice %arg4[%mul3A_4, %dma_wait3A_666, %dma_wait3A_667] : memref<4096x50x128xf32, #tpu.memory_space<hbm>> -> memref<1x50x128xf32, #tpu.memory_space<hbm>>
    %dma_wait3A_669 = tpu.memref_squeeze %dma_wait3A_668 : memref<1x50x128xf32, #tpu.memory_space<hbm>> -> memref<50x128xf32, #tpu.memory_space<hbm>>
    %dma_wait3A_670 = arith.constant 0 : i32
    %dma_wait3A_671 = arith.constant 0 : i32
    %dma_wait3A_672 = tpu.memref_slice %arg8[%dma_wait3A_670, %dma_wait3A_671] : memref<200x128xf32, #tpu.memory_space<vmem>> -> memref<50x128xf32, #tpu.memory_space<vmem>>
    tpu.wait_dma2 semaphore(%arg16 : memref<!tpu.dma_semaphore, #tpu.memory_space<semaphore_mem>>) src(%dma_wait3A_672 : memref<50x128xf32, #tpu.memory_space<vmem>>) dst(%dma_wait3A_669 : memref<50x128xf32, #tpu.memory_space<hbm>>)
    %dma_wait3A_673 = arith.constant 0 : i32
    %dma_wait3A_674 = arith.constant 0 : i32
    %dma_wait3A_675 = tpu.memref_slice %arg8[%dma_wait3A_673, %dma_wait3A_674] : memref<200x128xf32, #tpu.memory_space<vmem>> -> memref<50x128xf32, #tpu.memory_space<vmem>>
    %dma_wait3A_676 = arith.constant 0 : i32
    %dma_wait3A_677 = arith.constant 0 : i32
    %dma_wait3A_678 = tpu.memref_slice %arg4[%mul3A_4, %dma_wait3A_676, %dma_wait3A_677] : memref<4096x50x128xf32, #tpu.memory_space<hbm>> -> memref<1x50x128xf32, #tpu.memory_space<hbm>>
    %dma_wait3A_679 = tpu.memref_squeeze %dma_wait3A_678 : memref<1x50x128xf32, #tpu.memory_space<hbm>> -> memref<50x128xf32, #tpu.memory_space<hbm>>
    %dma_wait3A_680 = arith.constant 0 : i32
    %dma_wait3A_681 = arith.constant 0 : i32
    %dma_wait3A_682 = tpu.memref_slice %arg4[%mul3A_4, %dma_wait3A_680, %dma_wait3A_681] : memref<4096x50x128xf32, #tpu.memory_space<hbm>> -> memref<1x50x128xf32, #tpu.memory_space<hbm>>
    %dma_wait3A_683 = tpu.memref_squeeze %dma_wait3A_682 : memref<1x50x128xf32, #tpu.memory_space<hbm>> -> memref<50x128xf32, #tpu.memory_space<hbm>>
    %dma_wait3A_684 = arith.constant 0 : i32
    %dma_wait3A_685 = arith.constant 0 : i32
    %dma_wait3A_686 = tpu.memref_slice %arg8[%dma_wait3A_684, %dma_wait3A_685] : memref<200x128xf32, #tpu.memory_space<vmem>> -> memref<50x128xf32, #tpu.memory_space<vmem>>
    tpu.wait_dma2 semaphore(%arg16 : memref<!tpu.dma_semaphore, #tpu.memory_space<semaphore_mem>>) src(%dma_wait3A_686 : memref<50x128xf32, #tpu.memory_space<vmem>>) dst(%dma_wait3A_683 : memref<50x128xf32, #tpu.memory_space<hbm>>)
    %dma_wait3A_687 = arith.constant 0 : i32
    %dma_wait3A_688 = arith.constant 0 : i32
    %dma_wait3A_689 = tpu.memref_slice %arg9[%dma_wait3A_687, %dma_wait3A_688] : memref<200x128xf32, #tpu.memory_space<vmem>> -> memref<50x128xf32, #tpu.memory_space<vmem>>
    %dma_wait3A_690 = arith.constant 0 : i32
    %dma_wait3A_691 = arith.constant 0 : i32
    %dma_wait3A_692 = tpu.memref_slice %arg4[%mul3A_4, %dma_wait3A_690, %dma_wait3A_691] : memref<4096x50x128xf32, #tpu.memory_space<hbm>> -> memref<1x50x128xf32, #tpu.memory_space<hbm>>
    %dma_wait3A_693 = tpu.memref_squeeze %dma_wait3A_692 : memref<1x50x128xf32, #tpu.memory_space<hbm>> -> memref<50x128xf32, #tpu.memory_space<hbm>>
    %dma_wait3A_694 = arith.constant 0 : i32
    %dma_wait3A_695 = arith.constant 0 : i32
    %dma_wait3A_696 = tpu.memref_slice %arg4[%mul3A_4, %dma_wait3A_694, %dma_wait3A_695] : memref<4096x50x128xf32, #tpu.memory_space<hbm>> -> memref<1x50x128xf32, #tpu.memory_space<hbm>>
    %dma_wait3A_697 = tpu.memref_squeeze %dma_wait3A_696 : memref<1x50x128xf32, #tpu.memory_space<hbm>> -> memref<50x128xf32, #tpu.memory_space<hbm>>
    %dma_wait3A_698 = arith.constant 0 : i32
    %dma_wait3A_699 = arith.constant 0 : i32
    %dma_wait3A_700 = tpu.memref_slice %arg9[%dma_wait3A_698, %dma_wait3A_699] : memref<200x128xf32, #tpu.memory_space<vmem>> -> memref<50x128xf32, #tpu.memory_space<vmem>>
    tpu.wait_dma2 semaphore(%arg17 : memref<!tpu.dma_semaphore, #tpu.memory_space<semaphore_mem>>) src(%dma_wait3A_700 : memref<50x128xf32, #tpu.memory_space<vmem>>) dst(%dma_wait3A_697 : memref<50x128xf32, #tpu.memory_space<hbm>>)
    %dma_wait3A_701 = arith.constant 0 : i32
    %dma_wait3A_702 = arith.constant 0 : i32
    %dma_wait3A_703 = tpu.memref_slice %arg9[%dma_wait3A_701, %dma_wait3A_702] : memref<200x128xf32, #tpu.memory_space<vmem>> -> memref<50x128xf32, #tpu.memory_space<vmem>>
    %dma_wait3A_704 = arith.constant 0 : i32
    %dma_wait3A_705 = arith.constant 0 : i32
    %dma_wait3A_706 = tpu.memref_slice %arg4[%mul3A_4, %dma_wait3A_704, %dma_wait3A_705] : memref<4096x50x128xf32, #tpu.memory_space<hbm>> -> memref<1x50x128xf32, #tpu.memory_space<hbm>>
    %dma_wait3A_707 = tpu.memref_squeeze %dma_wait3A_706 : memref<1x50x128xf32, #tpu.memory_space<hbm>> -> memref<50x128xf32, #tpu.memory_space<hbm>>
    %dma_wait3A_708 = arith.constant 0 : i32
    %dma_wait3A_709 = arith.constant 0 : i32
    %dma_wait3A_710 = tpu.memref_slice %arg4[%mul3A_4, %dma_wait3A_708, %dma_wait3A_709] : memref<4096x50x128xf32, #tpu.memory_space<hbm>> -> memref<1x50x128xf32, #tpu.memory_space<hbm>>
    %dma_wait3A_711 = tpu.memref_squeeze %dma_wait3A_710 : memref<1x50x128xf32, #tpu.memory_space<hbm>> -> memref<50x128xf32, #tpu.memory_space<hbm>>
    %dma_wait3A_712 = arith.constant 0 : i32
    %dma_wait3A_713 = arith.constant 0 : i32
    %dma_wait3A_714 = tpu.memref_slice %arg9[%dma_wait3A_712, %dma_wait3A_713] : memref<200x128xf32, #tpu.memory_space<vmem>> -> memref<50x128xf32, #tpu.memory_space<vmem>>
    tpu.wait_dma2 semaphore(%arg17 : memref<!tpu.dma_semaphore, #tpu.memory_space<semaphore_mem>>) src(%dma_wait3A_714 : memref<50x128xf32, #tpu.memory_space<vmem>>) dst(%dma_wait3A_711 : memref<50x128xf32, #tpu.memory_space<hbm>>)
    %dma_wait3A_715 = arith.constant 0 : i32
    %dma_wait3A_716 = arith.constant 0 : i32
    %dma_wait3A_717 = tpu.memref_slice %arg9[%dma_wait3A_715, %dma_wait3A_716] : memref<200x128xf32, #tpu.memory_space<vmem>> -> memref<50x128xf32, #tpu.memory_space<vmem>>
    %dma_wait3A_718 = arith.constant 0 : i32
    %dma_wait3A_719 = arith.constant 0 : i32
    %dma_wait3A_720 = tpu.memref_slice %arg4[%mul3A_4, %dma_wait3A_718, %dma_wait3A_719] : memref<4096x50x128xf32, #tpu.memory_space<hbm>> -> memref<1x50x128xf32, #tpu.memory_space<hbm>>
    %dma_wait3A_721 = tpu.memref_squeeze %dma_wait3A_720 : memref<1x50x128xf32, #tpu.memory_space<hbm>> -> memref<50x128xf32, #tpu.memory_space<hbm>>
    %dma_wait3A_722 = arith.constant 0 : i32
    %dma_wait3A_723 = arith.constant 0 : i32
    %dma_wait3A_724 = tpu.memref_slice %arg4[%mul3A_4, %dma_wait3A_722, %dma_wait3A_723] : memref<4096x50x128xf32, #tpu.memory_space<hbm>> -> memref<1x50x128xf32, #tpu.memory_space<hbm>>
    %dma_wait3A_725 = tpu.memref_squeeze %dma_wait3A_724 : memref<1x50x128xf32, #tpu.memory_space<hbm>> -> memref<50x128xf32, #tpu.memory_space<hbm>>
    %dma_wait3A_726 = arith.constant 0 : i32
    %dma_wait3A_727 = arith.constant 0 : i32
    %dma_wait3A_728 = tpu.memref_slice %arg9[%dma_wait3A_726, %dma_wait3A_727] : memref<200x128xf32, #tpu.memory_space<vmem>> -> memref<50x128xf32, #tpu.memory_space<vmem>>
    tpu.wait_dma2 semaphore(%arg17 : memref<!tpu.dma_semaphore, #tpu.memory_space<semaphore_mem>>) src(%dma_wait3A_728 : memref<50x128xf32, #tpu.memory_space<vmem>>) dst(%dma_wait3A_725 : memref<50x128xf32, #tpu.memory_space<hbm>>)
    %dma_wait3A_729 = arith.constant 0 : i32
    %dma_wait3A_730 = arith.constant 0 : i32
    %dma_wait3A_731 = tpu.memref_slice %arg9[%dma_wait3A_729, %dma_wait3A_730] : memref<200x128xf32, #tpu.memory_space<vmem>> -> memref<50x128xf32, #tpu.memory_space<vmem>>
    %dma_wait3A_732 = arith.constant 0 : i32
    %dma_wait3A_733 = arith.constant 0 : i32
    %dma_wait3A_734 = tpu.memref_slice %arg4[%mul3A_4, %dma_wait3A_732, %dma_wait3A_733] : memref<4096x50x128xf32, #tpu.memory_space<hbm>> -> memref<1x50x128xf32, #tpu.memory_space<hbm>>
    %dma_wait3A_735 = tpu.memref_squeeze %dma_wait3A_734 : memref<1x50x128xf32, #tpu.memory_space<hbm>> -> memref<50x128xf32, #tpu.memory_space<hbm>>
    %dma_wait3A_736 = arith.constant 0 : i32
    %dma_wait3A_737 = arith.constant 0 : i32
    %dma_wait3A_738 = tpu.memref_slice %arg4[%mul3A_4, %dma_wait3A_736, %dma_wait3A_737] : memref<4096x50x128xf32, #tpu.memory_space<hbm>> -> memref<1x50x128xf32, #tpu.memory_space<hbm>>
    %dma_wait3A_739 = tpu.memref_squeeze %dma_wait3A_738 : memref<1x50x128xf32, #tpu.memory_space<hbm>> -> memref<50x128xf32, #tpu.memory_space<hbm>>
    %dma_wait3A_740 = arith.constant 0 : i32
    %dma_wait3A_741 = arith.constant 0 : i32
    %dma_wait3A_742 = tpu.memref_slice %arg9[%dma_wait3A_740, %dma_wait3A_741] : memref<200x128xf32, #tpu.memory_space<vmem>> -> memref<50x128xf32, #tpu.memory_space<vmem>>
    tpu.wait_dma2 semaphore(%arg17 : memref<!tpu.dma_semaphore, #tpu.memory_space<semaphore_mem>>) src(%dma_wait3A_742 : memref<50x128xf32, #tpu.memory_space<vmem>>) dst(%dma_wait3A_739 : memref<50x128xf32, #tpu.memory_space<hbm>>)
    return
  }
}

</mosaic_0001>

<sc_bundles>
// kernel: kernel.3.cloned.1.call-start
scs
__scs_entry_jumppad:
0x0: {  	(pc) =	sbr.rel $0x88, $3  }
0x1: {  	(tag) =	ssettag $0x0;
	lr =	simm.s32 $0x1  }
0x2: {  	[smem:$0x3F9F] =	sst lr;
	_ =	strace $0xD0000000  }
0x3: {  	_ = 	snop  }
0x4: {  	_ = 	snop  }
0x5: {  	_ = 	snop  }
0x6: {  	_ = 	snop  }
0x7: {  	_ = 	snop  }
__scs_overlays_trampoline_lowered:
0x8: {  	[smem:$0x3FAE] =	sst s0  }
0x9: {  	[smem:$0x3FAF] =	sst s1  }
0xa: {  	[smem:$0x3FB0] =	sst s2  }
0xb: {  	[smem:$0x3FB1] =	sst s3  }
0xc: {  	[smem:$0x3FB2] =	sst s4  }
0xd: {  	[smem:$0x3FB3] =	sst s5  }
0xe: {  	[smem:$0x3FB4] =	sst s6  }
0xf: {  	[smem:$0x3FB5] =	sst s7  }
0x10: {  	[smem:$0x3FB6] =	sst s8  }
0x11: {  	[smem:$0x3FB7] =	sst s9;
	s0 =	simm.s32 @!p0 $0x0  }
0x12: {  	s1 =	sld [smem:$0x3F9D];
	s0 =	simm.s32 @p0 $0x1  }
0x13: {  	[smem:$0x3FB8] =	sst s0;
	s0 =	simm.s32 @!p1 $0x0  }
0x14: {  	s2 =	sld [smem:$0x3F9C];
	s0 =	simm.s32 @p1 $0x1  }
0x15: {  	[smem:$0x3FB9] =	sst s0;
	s0 =	simm.s32 @!p2 $0x0  }
0x16: {  	s3 =	sld [smem:$0x3FDB];
	s0 =	simm.s32 @p2 $0x1  }
0x17: {  	s4 =	simm.s32 $0x1BF5;
	[smem:$0x3FBB] =	sst s0  }
0x18: {  	s0 =	sld [smem:$0x3F9E];
	_ =	swait.ge [sflag:s4], $0x0  }
0x19: {  	s7 =	sld [smem:$0x3F9F]  }
0x1a: {  	s8 =	sadd.s32 $0xFFFFE003, lr  }
0x1b: {  	s9 =	sadd.s32 $0xFFFFFEF7, lr;
	s5 =	simm.s32 $0xFFFFFFFF;
	p2 =	slt.u32 s8, $0xFFFFF086  }
0x1c: {  	p1 =	slt.u32 s9, $0xF7A;
	s5 =	simm.s32 @!p2 $0x0  }
0x1d: {  	s5 =	simm.s32 @p1 $0x1;
	p0 =	seq.s32 s7, s2  }
0x1e: {  	s7 =	smul.u32 @!p0 $0xF7A, s2;
	p2 =	seq.s32 @!p0 s5, $0x0  }
0x1f: {  	s9 =	smul.u32 $0xF7A, s1;
	s8 =	simm.s32 @!p0 $0x1BF5;
	p2 =	por !p2, p0  }
0x20: {  	[sflag:s8] =	ssyncset.s32 @!p0 $0xFFFFF086;
	s6 =	sadd.s32 @!p0 s3, s7;
	s7 =	simm.s32 @!p0 $0x108  }
0x21: {  	s3 =	sadd.s32 s3, s9;
	s6 =	sadd.s32 @!p0 $0x88, s6;
	s7 =	simm.s32 @p2 $0x1082  }
0x22: {  	[simem:s7], [sflag:s8] =	dma.local @!p0 [hbm:s6], $0xF7A  }
0x23: {  	s9 =	sor.u32 $0xD0000000, s2;
	s6 =	simm.s32 $0x108;
	_ =	swait.ge @!p0 [sflag:s8], $0x0  }
0x24: {  	s3 =	sadd.s32 $0x88, s3;
	s6 =	simm.s32 @!p1 $0x1082;
	[sflag:s4] =	ssyncset.s32 $0xFFFFF086  }
0x25: {  	[simem:s6], [sflag:s4] =	dma.local [hbm:s3], $0xF7A  }
0x26: {  	[smem:$0x3F9F] =	sst s1;
	(tag) =	ssettag s2;
	_ =	strace s9  }
0x27: {  	s1 =	sld [smem:$0x3FAF]  }
0x28: {  	s2 =	sld [smem:$0x3FB0]  }
0x29: {  	s4 =	sld [smem:$0x3FB2]  }
0x2a: {  	p0 =	seq.s32 s5, $0x0;
	s5 =	sld [smem:$0x3FB3]  }
0x2b: {  	s6 =	sld [smem:$0x3FB4]  }
0x2c: {  	s7 =	sld [smem:$0x3FB5]  }
0x2d: {  	s3 =	simm.s32 $0x108;
	s8 =	sld [smem:$0x3FB6]  }
0x2e: {  	s3 =	simm.s32 @!p0 $0x1082;
	s9 =	sld [smem:$0x3FB7]  }
0x2f: {  	lr =	sadd.s32 s0, s3;
	s0 =	sld [smem:$0x3FAE]  }
0x30: {  	s3 =	sld [smem:$0x3FB1]  }
0x31: {  	[smem:$0x3FBA] =	sst s10  }
0x32: {  	s10 =	sld [smem:$0x3FB8];
	_ =	sdelay $0x3  }
0x33: {  	p0 =	seq.s32 s10, $0x1;
	s10 =	sld [smem:$0x3FBA];
	_ =	sdelay $0x3  }
0x34: {  	[smem:$0x3FBA] =	sst s10  }
0x35: {  	s10 =	sld [smem:$0x3FB9];
	_ =	sdelay $0x3  }
0x36: {  	p1 =	seq.s32 s10, $0x1;
	s10 =	sld [smem:$0x3FBA];
	_ =	sdelay $0x3  }
0x37: {  	[smem:$0x3FBA] =	sst s10  }
0x38: {  	s10 =	sld [smem:$0x3FBB]  }
0x39: {  	_ = 	snop;
	(pc) =	sbr.ind lr, $3  }
0x3a: {  	_ = 	snop  }
0x3b: {  	_ = 	snop  }
0x3c: {  	p2 =	seq.s32 s10, $0x1;
	s10 =	sld [smem:$0x3FBA]  }
0x3d: {  	_ =	shalt  }
0x3e: {  	_ =	shalt  }
0x3f: {  	_ =	shalt  }
0x40: {  	_ =	shalt  }
0x41: {  	_ =	shalt  }
0x42: {  	_ =	shalt  }
0x43: {  	_ =	shalt  }
0x44: {  	_ =	shalt  }
0x45: {  	_ =	shalt  }
0x46: {  	_ =	shalt  }
0x47: {  	_ =	shalt  }
0x48: {  	_ =	shalt  }
0x49: {  	_ =	shalt  }
0x4a: {  	_ =	shalt  }
0x4b: {  	_ =	shalt  }
0x4c: {  	_ =	shalt  }
0x4d: {  	_ =	shalt  }
0x4e: {  	_ =	shalt  }
0x4f: {  	_ =	shalt  }
0x50: {  	_ =	shalt  }
0x51: {  	_ =	shalt  }
0x52: {  	_ =	shalt  }
0x53: {  	_ =	shalt  }
0x54: {  	_ =	shalt  }
0x55: {  	_ =	shalt  }
0x56: {  	_ =	shalt  }
0x57: {  	_ =	shalt  }
0x58: {  	_ =	shalt  }
0x59: {  	_ =	shalt  }
0x5a: {  	_ =	shalt  }
0x5b: {  	_ =	shalt  }
0x5c: {  	_ =	shalt  }
0x5d: {  	_ =	shalt  }
0x5e: {  	_ =	shalt  }
0x5f: {  	_ =	shalt  }
0x60: {  	_ =	shalt  }
0x61: {  	_ =	shalt  }
0x62: {  	_ =	shalt  }
0x63: {  	_ =	shalt  }
0x64: {  	_ =	shalt  }
0x65: {  	_ =	shalt  }
0x66: {  	_ =	shalt  }
0x67: {  	_ =	shalt  }
0x68: {  	_ =	shalt  }
0x69: {  	_ =	shalt  }
0x6a: {  	_ =	shalt  }
0x6b: {  	_ =	shalt  }
0x6c: {  	_ =	shalt  }
0x6d: {  	_ =	shalt  }
0x6e: {  	_ =	shalt  }
0x6f: {  	_ =	shalt  }
0x70: {  	_ =	shalt  }
0x71: {  	_ =	shalt  }
0x72: {  	_ =	shalt  }
0x73: {  	_ =	shalt  }
0x74: {  	_ =	shalt  }
0x75: {  	_ =	shalt  }
0x76: {  	_ =	shalt  }
0x77: {  	_ =	shalt  }
0x78: {  	_ =	shalt  }
0x79: {  	_ =	shalt  }
0x7a: {  	_ =	shalt  }
0x7b: {  	_ =	shalt  }
0x7c: {  	_ =	shalt  }
0x7d: {  	_ =	shalt  }
0x7e: {  	_ =	shalt  }
0x7f: {  	_ =	shalt  }
0x80: {  	_ =	shalt  }
0x81: {  	_ =	shalt  }
0x82: {  	_ =	shalt  }
0x83: {  	_ =	shalt  }
0x84: {  	_ =	shalt  }
0x85: {  	_ =	shalt  }
0x86: {  	_ =	shalt  }
0x87: {  	_ =	shalt  }
.Lfunc_end0:
.L_simem_size_0:
called_computation_lowered:
.L_overlay_start_0:
0x88: {  	s2 =	sld [smem:$0x3FD9]  }
0x89: {  	s3 =	sld [smem:$0x3FFE];
	_ =	sdelay $0x1  }
0x8a: {  	s1 =	srdreg.scid  }
0x8b: {  	s0 =	sand.u32 $0x1, s1  }
0x8c: {  	s17 =	sshll.u32 s0, $0xA;
	s2 =	sadd.s32 s3, s2  }
0x8d: {  	s2 =	sadd.s32 s2, s17  }
0x8e: {  	[smem:$0x3FC6] =	sst s2  }
0x8f: {  	_ = 	snop  }
0x90: {  	s2 =	sld [smem:$0x3FC8]  }
0x91: {  	s18 =	sld [smem:$0x3FD0];
	(tm) =	ssettm $0x1  }
0x92: {  	s4 =	sld [smem:$0x3FFB];
	_ =	sdelay $0x3  }
0x93: {  	_ =	strace s4  }
0x94: {  	s4 =	sld [smem:$0x3FFC];
	_ =	sdelay $0x3  }
0x95: {  	_ =	strace s4  }
0x96: {  	s4 =	sld [smem:$0x3FFD];
	_ =	sdelay $0x3  }
0x97: {  	_ =	strace s4  }
0x98: {  	_ =	strace $0x8FFFFFFF  }
0x99: {  	s19 =	sld [smem:$0x3FDB];
	_ =	sdelay $0x1  }
0x9a: {  	s5 =	simm.s32 $_scs_section_size  }
0x9b: {  	s6 =	simm.s32 $_size__tile_overlayer_lowered;
	s7 =	simm.s32 $_tile_overlayer_lowered  }
0x9c: {  	s22 =	simm.s32 $0x1BFF;
	s21 =	sshll.u32 s7, $0x1;
	s4 =	sadd.s32 s5, s19  }
0x9d: {  	s8 =	simm.s32 $0x0;
	s20 =	sshll.u32 s6, $0x1;
	s6 =	sadd.s32 s21, s4  }
0x9e: {  	[timem:s8], [sflag:s22] =	dma.local [hbm:s6], s20  }
0x9f: {  	_ =	swait.ge [sflag:s22], s20  }
0xa0: {  	s5 =	ssub.s32 $0x0, s20;
	[sflag:s22] =	ssyncset.done $0x0  }
0xa1: {  	[sflag:s22] =	ssyncadd.s32 s5;
	_ =	sdelay $0x1  }
0xa2: {  	s23 =	simm.s32 $0x1B8B  }
0xa3: {  	_ =	swait.ge [sflag:s23], $0x1  }
0xa4: {  	[sflag:s23] =	ssyncset.done $0x0  }
0xa5: {  	s25 =	simm.s32 $0x1B8E;
	s24 =	sld [smem:$0x3FFE];
	[sflag:s23] =	ssyncadd.s32 $0xFFFFFFFF  }
0xa6: {  	s26 =	simm.s32 $execute0_lowered;
	[smem:$0x3FD2] =	sst s25  }
0xa7: {  	s6 =	sshll.u32 s26, $0x1;
	_ =	strace $0x80000046;
	[dreg:$0x1] =	wrdreg $0xFFFFFFFF  }
0xa8: {  	s28 =	simm.s32 $_size_execute0_lowered;
	s4 =	sadd.s32 s4, s6;
	[dreg:$0x0] =	wrdreg $0x0  }
0xa9: {  	s6 =	sshll.u32 s28, $0x1;
	[dreg:$0x2] =	wrdreg s4  }
0xaa: {  	[dreg:$0x3] =	wrdreg s6  }
0xab: {  	[dreg:$0x4] =	wrdreg $0xC0  }
0xac: {  	_ =	task [dreg:s8], $0x5FFFF  }
0xad: {  	[dreg:$0x1] =	wrdreg $0xFFFFFFFF  }
0xae: {  	[dreg:$0x0] =	wrdreg $0x60  }
0xaf: {  	[dreg:$0x2] =	wrdreg s18  }
0xb0: {  	[dreg:$0x3] =	wrdreg s2  }
0xb1: {  	[dreg:$0x4] =	wrdreg s24  }
0xb2: {  	[dreg:$0x5] =	wrdreg $0x9  }
0xb3: {  	_ =	task.clear_ibuf [dreg:s8], $0x6FFFF;
	_ =	strace $0x90000046  }
0xb4: {  	s29 =	simm.s32 $0x9;
	_ =	strace $0x80000048  }
0xb5: {  	_ =	swait.ge [sflag:s29], $0x1  }
0xb6: {  	[sflag:s29] =	ssyncadd.s32 $0xFFFFFFFF  }
0xb7: {  	_ =	strace $0x90000048  }
0xb8: {  	_ =	sfence  }
0xb9: {  	s30 =	sld [smem:$0x0];
	_ =	sdelay $0x2  }
0xba: {  	s31 =	sshll.u32 s1, $0xD;
	s1 =	sshrl.u32 s1, $0x2  }
0xbb: {  	s3 =	sand.u32 $0x4000, s31;
	s1 =	sadd.s32 s1, s30  }
0xbc: {  	s0 =	sor.u32 s3, s0;
	s1 =	sshll.u32 s1, $0x11  }
0xbd: {  	s0 =	sor.u32 s1, s0  }
0xbe: {  	s0 =	sadd.s32 $0x8F2B, s0  }
0xbf: {  	[sflag:s0] =	ssyncadd.remote.s32 $0x1  }
0xc0: {  	_ =	sfence.sel $0xFFFF  }
0xc1: {  	[dreg:$0x0] =	wrdreg $0xFFFFFFFF;
	(pc) =	sbr.abs _section_cstart, $3  }
0xc2: {  	[dreg:$0x1] =	wrdreg $0xFFFFFFFF  }
0xc3: {  	_ =	task.clear_ibuf [dreg:s8], $0x2FFFF;
	_ =	strace $0x9FFFFFFF  }
0xc4: {  	(tm) =	ssettm $0x7FFFFFFF  }
0xc5: {  	_ =	shalt  }
tec
execute0_lowered:
.L_overlay_start_1:
0x0: {  	(tag) =	ssettag $0x1  }
0x1: {  	s0 =	rddreg [dreg:$0x0]  }
0x2: {  	s2 =	rddreg [dreg:$0x1];
	s1 =	srdreg.scid  }
0x3: {  	s10 =	stileid.u32;
	s4 =	rddreg [dreg:$0x2];
	s3 =	simm.s32 $0x0  }
0x4: {  	s30 =	simm.s32 $0x3;
	s29 =	simm.s32 $0x4;
	s9 =	smul.u32 $0x1C0000, s10  }
0x5: {  	s1 =	sand.u32 $0x1, s1;
	s5 =	sshll.u32 s10, $0x1;
	s20 =	smul.u32 $0x38000, s10  }
0x6: {  	[smem:$0x7FF] =	sst s3;
	s5 =	sor.u32 s1, s5;
	s28 =	smul.u32 $0xE0000, s1  }
0x7: {  	s4 =	sadd.s32 $0x400, s4;
	s7 =	ssub.s32 $0x2, s1;
	s6 =	smul.u32 $0x320, s5  }
0x8: {  	_ =	strace $0x80000047;
	s5 =	smul.u32 $0x1C000, s5;
	s8 =	sshrl.u32 s7, $0x1  }
0x9: {  	s1 =	smul.u32 $0x1C000, s1;
	s22 =	sadd.s32 s20, s4;
	s7 =	ssub.s32 s7, s8  }
0xa: {  	s13 =	sadd.s32 s28, s9;
	s11 =	sadd.s32 s4, s5;
	s0 =	sadd.s32 s0, s6  }
0xb: {  	s16 =	sadd.s32 $0x2F400, s13;
	s19 =	sadd.s32 $0x2D800, s13;
	s21 =	sadd.s32 $0x28400, s13  }
0xc: {  	s24 =	sadd.s32 $0x26800, s13;
	s25 =	sadd.s32 $0x24C00, s13;
	[dreg:$0x5] =	wrdreg s0  }
0xd: {  	s26 =	sadd.s32 $0x21400, s13;
	s31 =	sadd.s32 $0x380, s11;
	[dreg:$0x4] =	wrdreg s11  }
0xe: {  	s6 =	sadd.s32 $0x700, s11;
	s8 =	sadd.s32 $0xA80, s11;
	[dreg:$0x6] =	wrdreg s31  }
0xf: {  	s12 =	sadd.s32 $0xE00, s11;
	s14 =	sadd.s32 $0x1180, s11;
	[dreg:$0x7] =	wrdreg s6  }
0x10: {  	s15 =	sadd.s32 $0x1500, s11;
	s17 =	sadd.s32 $0x1880, s11;
	[dreg:$0x8] =	wrdreg s8  }
0x11: {  	s18 =	sadd.s32 $0x1C00, s11;
	s5 =	sshrl.u32 s16, $0x3;
	[dreg:$0x9] =	wrdreg s12  }
0x12: {  	s23 =	sshrl.u32 s21, $0x3;
	s16 =	sadd.s32 s1, s22;
	[dreg:$0xa] =	wrdreg s14  }
0x13: {  	s1 =	sshrl.u32 s24, $0x3;
	s28 =	sshrl.u32 s25, $0x3;
	[dreg:$0xb] =	wrdreg s15  }
0x14: {  	s0 =	sadd.s32 $0x32C00, s13;
	s10 =	sadd.s32 $0x1F80, s11;
	[dreg:$0xc] =	wrdreg s17  }
0x15: {  	s24 =	sadd.s32 $0x2680, s11;
	s25 =	sadd.s32 $0x2A00, s11;
	[dreg:$0xd] =	wrdreg s18  }
0x16: {  	s14 =	sadd.s32 s5, s4;
	s5 =	sshrl.u32 s19, $0x3;
	s17 =	sadd.s32 s23, s4  }
0x17: {  	s18 =	sadd.s32 s1, s4;
	s31 =	sshrl.u32 s26, $0x3;
	s19 =	sadd.s32 s28, s4  }
0x18: {  	s6 =	sadd.s32 $0x36400, s13;
	s8 =	sadd.s32 $0x34800, s13;
	[dreg:$0xe] =	wrdreg s10  }
0x19: {  	s0 =	sshrl.u32 s0, $0x3;
	s12 =	smax.u32 s7, $0x1;
	[dreg:$0x11] =	wrdreg s24  }
0x1a: {  	s13 =	sadd.s32 $0x2300, s11;
	[dreg:$0x12] =	wrdreg s25;
	s26 =	sadd.s32 $0x2D80, s11  }
0x1b: {  	s28 =	sadd.s32 $0x3100, s11;
	s24 =	simm.s32 $0x2;
	s10 =	simm.s32 $0x17700  }
0x1c: {  	s25 =	simm.s32 $0x8;
	s15 =	sadd.s32 s5, s4;
	[dreg:$0xf] =	wrdreg s12  }
0x1d: {  	s20 =	sadd.s32 s31, s4;
	s1 =	sshrl.u32 s6, $0x3;
	[dreg:$0x10] =	wrdreg s13  }
0x1e: {  	s9 =	sshrl.u32 s8, $0x3;
	s23 =	sadd.s32 s0, s4;
	[dreg:$0x13] =	wrdreg s26  }
.Ltmp0:
0x1f: {  	[dreg:$0x14] =	wrdreg s28;
	s31 =	sadd.s32 $0x3480, s11;
	(pc) =	sbr.rel .LBB2_1-.Ltmp0, $4  }
0x20: {  	s5 =	simm.s32 $0xC8;
	s8 =	simm.s32 $0xE100;
	s13 =	simm.s32 $0x14500  }
0x21: {  	s26 =	simm.s32 $0x6;
	s11 =	simm.s32 $0x19000;
	s12 =	simm.s32 $0x7  }
0x22: {  	s0 =	simm.s32 $0x0;
	s21 =	sadd.s32 s1, s4;
	s22 =	sadd.s32 s9, s4  }
0x23: {  	[dreg:$0x15] =	wrdreg s31;
	s9 =	simm.s32 $0x1;
	s4 =	simm.s32 $0x5  }
.LBB2_4:
0x24: {  	s4 =	simm.s32 $0x5  }
0x25: {  	_ =	swait.ge [sflag:s4], $0x1900  }
0x26: {  	[sflag:s4] =	ssyncset.done $0x0  }
0x27: {  	[sflag:s4] =	ssyncadd.s32 $0xFFFFE700  }
0x28: {  	_ =	swait.ge [sflag:s4], $0x1900  }
0x29: {  	[sflag:s4] =	ssyncset.done $0x0  }
0x2a: {  	[sflag:s4] =	ssyncadd.s32 $0xFFFFE700  }
0x2b: {  	_ =	swait.ge [sflag:s4], $0x1900  }
0x2c: {  	[sflag:s4] =	ssyncset.done $0x0  }
0x2d: {  	[sflag:s4] =	ssyncadd.s32 $0xFFFFE700  }
0x2e: {  	_ =	swait.ge [sflag:s4], $0x1900  }
0x2f: {  	[sflag:s4] =	ssyncset.done $0x0  }
0x30: {  	s26 =	simm.s32 $0x6;
	[sflag:s4] =	ssyncadd.s32 $0xFFFFE700  }
0x31: {  	_ =	swait.ge [sflag:s26], $0x1900  }
0x32: {  	[sflag:s26] =	ssyncset.done $0x0  }
0x33: {  	[sflag:s26] =	ssyncadd.s32 $0xFFFFE700  }
0x34: {  	_ =	swait.ge [sflag:s26], $0x1900  }
0x35: {  	[sflag:s26] =	ssyncset.done $0x0  }
0x36: {  	[sflag:s26] =	ssyncadd.s32 $0xFFFFE700  }
0x37: {  	_ =	swait.ge [sflag:s26], $0x1900  }
0x38: {  	[sflag:s26] =	ssyncset.done $0x0  }
0x39: {  	[sflag:s26] =	ssyncadd.s32 $0xFFFFE700  }
0x3a: {  	_ =	swait.ge [sflag:s26], $0x1900  }
0x3b: {  	[sflag:s26] =	ssyncset.done $0x0  }
0x3c: {  	[sflag:s26] =	ssyncadd.s32 $0xFFFFE700  }
0x3d: {  	_ =	swait.ge [sflag:s12], $0x1900  }
0x3e: {  	[sflag:s12] =	ssyncset.done $0x0  }
0x3f: {  	[sflag:s12] =	ssyncadd.s32 $0xFFFFE700  }
0x40: {  	_ =	swait.ge [sflag:s12], $0x1900  }
0x41: {  	[sflag:s12] =	ssyncset.done $0x0  }
0x42: {  	[sflag:s12] =	ssyncadd.s32 $0xFFFFE700  }
0x43: {  	_ =	swait.ge [sflag:s12], $0x1900  }
0x44: {  	[sflag:s12] =	ssyncset.done $0x0  }
0x45: {  	[sflag:s12] =	ssyncadd.s32 $0xFFFFE700  }
0x46: {  	_ =	swait.ge [sflag:s12], $0x1900  }
0x47: {  	[sflag:s12] =	ssyncset.done $0x0  }
0x48: {  	[sflag:s12] =	ssyncadd.s32 $0xFFFFE700  }
0x49: {  	_ =	swait.ge [sflag:s25], $0x1900  }
0x4a: {  	[sflag:s25] =	ssyncset.done $0x0  }
0x4b: {  	[sflag:s25] =	ssyncadd.s32 $0xFFFFE700  }
0x4c: {  	_ =	swait.ge [sflag:s25], $0x1900  }
0x4d: {  	[sflag:s25] =	ssyncset.done $0x0  }
0x4e: {  	[sflag:s25] =	ssyncadd.s32 $0xFFFFE700  }
0x4f: {  	_ =	swait.ge [sflag:s25], $0x1900  }
0x50: {  	[sflag:s25] =	ssyncset.done $0x0  }
0x51: {  	[sflag:s25] =	ssyncadd.s32 $0xFFFFE700  }
0x52: {  	_ =	swait.ge [sflag:s25], $0x1900  }
0x53: {  	s0 =	rddreg [dreg:$0x16]  }
0x54: {  	s1 =	rddreg [dreg:$0xf];
	s0 =	sadd.s32 $0x1, s0  }
0x55: {  	p0 =	sne.s32 s0, s1  }
.Ltmp1:
0x56: {  	_ = 	snop;
	(pc) =	sbr.rel @!p0 .LBB2_5-.Ltmp1, $3  }
0x57: {  	_ =	sdelay $0x1  }
0x58: {  	[sflag:s25] =	ssyncset.done $0x0  }
0x59: {  	[sflag:s25] =	ssyncadd.s32 $0xFFFFE700  }
.LBB2_1:
0x5a: {  	[dreg:$0x16] =	wrdreg s0  }
0x5b: {  	s1 =	rddreg [dreg:$0x5];
	s0 =	simm.s32 $0x9  }
0x5c: {  	[tilespmem:s3], [sflag:$0x9] =	stream.linear.gather [hbm4b:s1+s3], $0x1900, $0x38;
	[tilespmem:$0x1A900] =	vst v63  }
0x5d: {  	_ =	swait.ge [sflag:s0], $0x1900  }
0x5e: {  	[sflag:s0] =	ssyncset.done $0x0  }
0x5f: {  	s6 =	simm.s32 $0x1900;
	[sflag:s0] =	ssyncadd.s32 $0xFFFFE700  }
0x60: {  	[tilespmem:s6], [sflag:$0x1] =	stream.indirect.gather [hbm4b:s2+s5], $0x80, s3, s5, $0xb8;
	[tilespmem:$0x1A900] =	vst v63  }
0x61: {  	s7 =	simm.s32 $0x7D00  }
0x62: {  	[tilespmem:s7], [sflag:$0x2] =	stream.indirect.gather [hbm4b:s2+s5], $0x80, s5, s5, $0xb8;
	[tilespmem:$0x1A900] =	vst v63  }
0x63: {  	s1 =	simm.s32 $0x190  }
0x64: {  	[tilespmem:s8], [sflag:$0x3] =	stream.indirect.gather [hbm4b:s2+s5], $0x80, s1, s5, $0xb8;
	[tilespmem:$0x1A900] =	vst v63  }
0x65: {  	_ =	swait.ge [sflag:s9], $0x6400  }
0x66: {  	[sflag:s9] =	ssyncset.done $0x0  }
0x67: {  	s31 =	rddreg [dreg:$0x4];
	[sflag:s9] =	ssyncadd.s32 $0xFFFF9C00  }
0x68: {  	[hbm4b:s31+s3] =	stream.linear.scatter [tilespmem:s6], [sflag:$0x5], $0x1900, $0x38;
	[tilespmem:$0x1A900] =	vst v63  }
0x69: {  	s0 =	rddreg [dreg:$0x6];
	s31 =	simm.s32 $0x3200  }
0x6a: {  	[hbm4b:s0+s3] =	stream.linear.scatter [tilespmem:s31], [sflag:$0x5], $0x1900, $0x38;
	[tilespmem:$0x1A900] =	vst v63  }
0x6b: {  	s0 =	rddreg [dreg:$0x7];
	s31 =	simm.s32 $0x4B00  }
0x6c: {  	[hbm4b:s0+s3] =	stream.linear.scatter [tilespmem:s31], [sflag:$0x5], $0x1900, $0x38;
	[tilespmem:$0x1A900] =	vst v63  }
0x6d: {  	s0 =	rddreg [dreg:$0x8];
	s31 =	simm.s32 $0x6400  }
0x6e: {  	[hbm4b:s0+s3] =	stream.linear.scatter [tilespmem:s31], [sflag:$0x5], $0x1900, $0x38;
	[tilespmem:$0x1A900] =	vst v63  }
0x6f: {  	s1 =	simm.s32 $0x258  }
0x70: {  	[tilespmem:s13], [sflag:$0x4] =	stream.indirect.gather [hbm4b:s2+s5], $0x80, s1, s5, $0xb8;
	[tilespmem:$0x1A900] =	vst v63  }
0x71: {  	_ =	swait.ge [sflag:s24], $0x6400  }
0x72: {  	[sflag:s24] =	ssyncset.done $0x0  }
0x73: {  	s31 =	rddreg [dreg:$0x9];
	[sflag:s24] =	ssyncadd.s32 $0xFFFF9C00  }
0x74: {  	[hbm4b:s31+s3] =	stream.linear.scatter [tilespmem:s7], [sflag:$0x6], $0x1900, $0x38;
	[tilespmem:$0x1A900] =	vst v63  }
0x75: {  	s0 =	rddreg [dreg:$0xa];
	s31 =	simm.s32 $0x9600  }
0x76: {  	[hbm4b:s0+s3] =	stream.linear.scatter [tilespmem:s31], [sflag:$0x6], $0x1900, $0x38;
	[tilespmem:$0x1A900] =	vst v63  }
0x77: {  	s0 =	rddreg [dreg:$0xb];
	s31 =	simm.s32 $0xAF00  }
0x78: {  	[hbm4b:s0+s3] =	stream.linear.scatter [tilespmem:s31], [sflag:$0x6], $0x1900, $0x38;
	[tilespmem:$0x1A900] =	vst v63  }
0x79: {  	s0 =	rddreg [dreg:$0xc];
	s31 =	simm.s32 $0xC800  }
0x7a: {  	[hbm4b:s0+s3] =	stream.linear.scatter [tilespmem:s31], [sflag:$0x6], $0x1900, $0x38;
	[tilespmem:$0x1A900] =	vst v63  }
0x7b: {  	_ =	swait.ge [sflag:s4], $0x1900  }
0x7c: {  	[sflag:s4] =	ssyncset.done $0x0  }
0x7d: {  	[sflag:s4] =	ssyncadd.s32 $0xFFFFE700  }
0x7e: {  	_ =	swait.ge [sflag:s4], $0x1900  }
0x7f: {  	[sflag:s4] =	ssyncset.done $0x0  }
0x80: {  	[sflag:s4] =	ssyncadd.s32 $0xFFFFE700  }
0x81: {  	_ =	swait.ge [sflag:s4], $0x1900  }
0x82: {  	[sflag:s4] =	ssyncset.done $0x0  }
0x83: {  	[sflag:s4] =	ssyncadd.s32 $0xFFFFE700  }
0x84: {  	_ =	swait.ge [sflag:s4], $0x1900  }
0x85: {  	[sflag:s4] =	ssyncset.done $0x0  }
0x86: {  	s31 =	simm.s32 $0x320;
	[sflag:s4] =	ssyncadd.s32 $0xFFFFE700  }
0x87: {  	[tilespmem:s6], [sflag:$0x1] =	stream.indirect.gather [hbm4b:s2+s5], $0x80, s31, s5, $0xb8;
	[tilespmem:$0x1A900] =	vst v63  }
0x88: {  	_ =	swait.ge [sflag:s30], $0x6400  }
0x89: {  	[sflag:s30] =	ssyncset.done $0x0  }
0x8a: {  	s0 =	rddreg [dreg:$0xd];
	[sflag:s30] =	ssyncadd.s32 $0xFFFF9C00  }
0x8b: {  	[hbm4b:s0+s3] =	stream.linear.scatter [tilespmem:s8], [sflag:$0x7], $0x1900, $0x38;
	[tilespmem:$0x1A900] =	vst v63  }
0x8c: {  	s31 =	simm.s32 $0xFA00;
	s6 =	rddreg [dreg:$0xe]  }
0x8d: {  	[hbm4b:s6+s3] =	stream.linear.scatter [tilespmem:s31], [sflag:$0x7], $0x1900, $0x38;
	[tilespmem:$0x1A900] =	vst v63  }
0x8e: {  	s6 =	rddreg [dreg:$0x10];
	s31 =	simm.s32 $0x11300  }
0x8f: {  	[hbm4b:s6+s3] =	stream.linear.scatter [tilespmem:s31], [sflag:$0x7], $0x1900, $0x38;
	[tilespmem:$0x1A900] =	vst v63  }
0x90: {  	s6 =	rddreg [dreg:$0x11];
	s31 =	simm.s32 $0x12C00  }
0x91: {  	[hbm4b:s6+s3] =	stream.linear.scatter [tilespmem:s31], [sflag:$0x7], $0x1900, $0x38;
	[tilespmem:$0x1A900] =	vst v63  }
0x92: {  	_ =	swait.ge [sflag:s26], $0x1900  }
0x93: {  	[sflag:s26] =	ssyncset.done $0x0  }
0x94: {  	[sflag:s26] =	ssyncadd.s32 $0xFFFFE700  }
0x95: {  	_ =	swait.ge [sflag:s26], $0x1900  }
0x96: {  	[sflag:s26] =	ssyncset.done $0x0  }
0x97: {  	[sflag:s26] =	ssyncadd.s32 $0xFFFFE700  }
0x98: {  	_ =	swait.ge [sflag:s26], $0x1900  }
0x99: {  	[sflag:s26] =	ssyncset.done $0x0  }
0x9a: {  	[sflag:s26] =	ssyncadd.s32 $0xFFFFE700  }
0x9b: {  	_ =	swait.ge [sflag:s26], $0x1900  }
0x9c: {  	[sflag:s26] =	ssyncset.done $0x0  }
0x9d: {  	s6 =	simm.s32 $0x3E8;
	[sflag:s26] =	ssyncadd.s32 $0xFFFFE700  }
0x9e: {  	[tilespmem:s7], [sflag:$0x2] =	stream.indirect.gather [hbm4b:s2+s5], $0x80, s6, s5, $0xb8;
	[tilespmem:$0x1A900] =	vst v63  }
0x9f: {  	_ =	swait.ge [sflag:s29], $0x6400  }
0xa0: {  	[sflag:s29] =	ssyncset.done $0x0  }
0xa1: {  	s7 =	rddreg [dreg:$0x12];
	[sflag:s29] =	ssyncadd.s32 $0xFFFF9C00  }
0xa2: {  	[hbm4b:s7+s3] =	stream.linear.scatter [tilespmem:s13], [sflag:$0x8], $0x1900, $0x38;
	[tilespmem:$0x1A900] =	vst v63  }
0xa3: {  	s31 =	simm.s32 $0x15E00;
	s26 =	rddreg [dreg:$0x13]  }
0xa4: {  	[hbm4b:s26+s3] =	stream.linear.scatter [tilespmem:s31], [sflag:$0x8], $0x1900, $0x38;
	[tilespmem:$0x1A900] =	vst v63  }
0xa5: {  	s7 =	rddreg [dreg:$0x14]  }
0xa6: {  	[hbm4b:s7+s3] =	stream.linear.scatter [tilespmem:s10], [sflag:$0x8], $0x1900, $0x38;
	[tilespmem:$0x1A900] =	vst v63  }
0xa7: {  	s26 =	rddreg [dreg:$0x15]  }
0xa8: {  	[hbm4b:s26+s3] =	stream.linear.scatter [tilespmem:s11], [sflag:$0x8], $0x1900, $0x38;
	[tilespmem:$0x1A900] =	vst v63  }
0xa9: {  	_ =	swait.ge [sflag:s12], $0x1900  }
0xaa: {  	[sflag:s12] =	ssyncset.done $0x0  }
0xab: {  	[sflag:s12] =	ssyncadd.s32 $0xFFFFE700  }
0xac: {  	_ =	swait.ge [sflag:s12], $0x1900  }
0xad: {  	[sflag:s12] =	ssyncset.done $0x0  }
0xae: {  	[sflag:s12] =	ssyncadd.s32 $0xFFFFE700  }
0xaf: {  	_ =	swait.ge [sflag:s12], $0x1900  }
0xb0: {  	[sflag:s12] =	ssyncset.done $0x0  }
0xb1: {  	[sflag:s12] =	ssyncadd.s32 $0xFFFFE700  }
0xb2: {  	s28 =	simm.s32 $0x0;
	_ =	swait.ge [sflag:s12], $0x1900  }
0xb3: {  	s4 =	simm.s32 $0x1900;
	s0 =	simm.s32 $0x7D00;
	[sflag:s12] =	ssyncset.done $0x0  }
0xb4: {  	s31 =	simm.s32 $0x4B0;
	s26 =	simm.s32 $0x7D0;
	[sflag:s12] =	ssyncadd.s32 $0xFFFFE700  }
0xb5: {  	[tilespmem:s8], [sflag:$0x3] =	stream.indirect.gather [hbm4b:s2+s5], $0x80, s31, s5, $0xb8;
	[tilespmem:$0x1A900] =	vst v63  }
.LBB2_2:
0xb6: {  	_ =	swait.ge [sflag:s9], $0x6400  }
0xb7: {  	s31 =	sadd.s32 s28, s16;
	[sflag:s9] =	ssyncset.done $0x0  }
0xb8: {  	s6 =	sadd.s32 $0x3800, s31;
	[sflag:s9] =	ssyncadd.s32 $0xFFFF9C00  }
0xb9: {  	[hbm4b:s6+s3] =	stream.linear.scatter [tilespmem:s4], [sflag:$0x5], $0x1900, $0x38;
	[tilespmem:$0x1A900] =	vst v63  }
0xba: {  	s1 =	simm.s32 $0x3200;
	s7 =	sadd.s32 $0x3B80, s31  }
0xbb: {  	[hbm4b:s7+s3] =	stream.linear.scatter [tilespmem:s1], [sflag:$0x5], $0x1900, $0x38;
	[tilespmem:$0x1A900] =	vst v63  }
0xbc: {  	s1 =	sadd.s32 $0x3F00, s31;
	s7 =	simm.s32 $0x4B00  }
0xbd: {  	[hbm4b:s1+s3] =	stream.linear.scatter [tilespmem:s7], [sflag:$0x5], $0x1900, $0x38;
	[tilespmem:$0x1A900] =	vst v63  }
0xbe: {  	s1 =	sadd.s32 s28, s20;
	s7 =	simm.s32 $0x6400  }
0xbf: {  	[hbm4b:s1+s3] =	stream.linear.scatter [tilespmem:s7], [sflag:$0x5], $0x1900, $0x38;
	[tilespmem:$0x1A900] =	vst v63  }
0xc0: {  	_ =	swait.ge [sflag:s25], $0x1900  }
0xc1: {  	[sflag:s25] =	ssyncset.done $0x0  }
0xc2: {  	[sflag:s25] =	ssyncadd.s32 $0xFFFFE700  }
0xc3: {  	_ =	swait.ge [sflag:s25], $0x1900  }
0xc4: {  	[sflag:s25] =	ssyncset.done $0x0  }
0xc5: {  	[sflag:s25] =	ssyncadd.s32 $0xFFFFE700  }
0xc6: {  	_ =	swait.ge [sflag:s25], $0x1900  }
0xc7: {  	[sflag:s25] =	ssyncset.done $0x0  }
0xc8: {  	[sflag:s25] =	ssyncadd.s32 $0xFFFFE700  }
0xc9: {  	_ =	swait.ge [sflag:s25], $0x1900  }
0xca: {  	[sflag:s25] =	ssyncset.done $0x0  }
0xcb: {  	s1 =	sadd.s32 $0xFFFFFDA8, s26;
	[sflag:s25] =	ssyncadd.s32 $0xFFFFE700  }
0xcc: {  	[tilespmem:s13], [sflag:$0x4] =	stream.indirect.gather [hbm4b:s2+s5], $0x80, s1, s5, $0xb8;
	[tilespmem:$0x1A900] =	vst v63  }
0xcd: {  	_ =	swait.ge [sflag:s24], $0x6400  }
0xce: {  	[sflag:s24] =	ssyncset.done $0x0  }
0xcf: {  	s7 =	sadd.s32 $0x4600, s31;
	[sflag:s24] =	ssyncadd.s32 $0xFFFF9C00  }
0xd0: {  	[hbm4b:s7+s3] =	stream.linear.scatter [tilespmem:s0], [sflag:$0x6], $0x1900, $0x38;
	[tilespmem:$0x1A900] =	vst v63  }
0xd1: {  	s1 =	sadd.s32 s28, s19;
	s7 =	simm.s32 $0x9600  }
0xd2: {  	[hbm4b:s1+s3] =	stream.linear.scatter [tilespmem:s7], [sflag:$0x6], $0x1900, $0x38;
	[tilespmem:$0x1A900] =	vst v63  }
0xd3: {  	p0 =	seq.s32 s28, $0x15000;
	s1 =	sadd.s32 s28, s18;
	s7 =	simm.s32 $0xAF00  }
0xd4: {  	[hbm4b:s1+s3] =	stream.linear.scatter [tilespmem:s7], [sflag:$0x6], $0x1900, $0x38;
	[tilespmem:$0x1A900] =	vst v63  }
0xd5: {  	s6 =	simm.s32 @!p0 $0x5;
	s1 =	sadd.s32 s28, s17;
	s7 =	simm.s32 $0xC800  }
0xd6: {  	[hbm4b:s1+s3] =	stream.linear.scatter [tilespmem:s7], [sflag:$0x6], $0x1900, $0x38;
	[tilespmem:$0x1A900] =	vst v63  }
0xd7: {  	_ =	swait.ge @!p0 [sflag:s6], $0x1900  }
0xd8: {  	[sflag:s6] =	ssyncset.done @!p0 $0x0  }
0xd9: {  	[sflag:s6] =	ssyncadd.s32 @!p0 $0xFFFFE700  }
0xda: {  	_ =	swait.ge @!p0 [sflag:s6], $0x1900  }
0xdb: {  	[sflag:s6] =	ssyncset.done @!p0 $0x0  }
0xdc: {  	[sflag:s6] =	ssyncadd.s32 @!p0 $0xFFFFE700  }
0xdd: {  	_ =	swait.ge @!p0 [sflag:s6], $0x1900  }
0xde: {  	[sflag:s6] =	ssyncset.done @!p0 $0x0  }
0xdf: {  	[sflag:s6] =	ssyncadd.s32 @!p0 $0xFFFFE700  }
0xe0: {  	_ =	swait.ge @!p0 [sflag:s6], $0x1900  }
0xe1: {  	s1 =	simm.s32 @!p0 $0xC8;
	[sflag:s6] =	ssyncset.done @!p0 $0x0  }
0xe2: {  	s7 =	simm.s32 @!p0 $0x1900;
	[sflag:s6] =	ssyncadd.s32 @!p0 $0xFFFFE700;
	s6 =	sadd.s32 @!p0 $0xFFFFFE70, s26  }
0xe3: {  	[tilespmem:s7], [sflag:$0x1] =	stream.indirect.gather @!p0 [hbm4b:s2+s1], $0x80, s6, s1, $0xb8;
	[tilespmem:$0x1A900] =	vst v63  }
0xe4: {  	_ =	swait.ge [sflag:s30], $0x6400  }
0xe5: {  	[sflag:s30] =	ssyncset.done $0x0  }
0xe6: {  	s7 =	sadd.s32 $0x5400, s31;
	[sflag:s30] =	ssyncadd.s32 $0xFFFF9C00  }
0xe7: {  	[hbm4b:s7+s3] =	stream.linear.scatter [tilespmem:s8], [sflag:$0x7], $0x1900, $0x38;
	[tilespmem:$0x1A900] =	vst v63  }
0xe8: {  	s6 =	sadd.s32 $0x5780, s31;
	s7 =	simm.s32 $0xFA00  }
0xe9: {  	[hbm4b:s6+s3] =	stream.linear.scatter [tilespmem:s7], [sflag:$0x7], $0x1900, $0x38;
	[tilespmem:$0x1A900] =	vst v63  }
0xea: {  	s6 =	sadd.s32 s28, s15;
	s7 =	simm.s32 $0x11300  }
0xeb: {  	[hbm4b:s6+s3] =	stream.linear.scatter [tilespmem:s7], [sflag:$0x7], $0x1900, $0x38;
	[tilespmem:$0x1A900] =	vst v63  }
0xec: {  	s6 =	sadd.s32 s28, s14;
	s7 =	simm.s32 $0x12C00  }
0xed: {  	[hbm4b:s6+s3] =	stream.linear.scatter [tilespmem:s7], [sflag:$0x7], $0x1900, $0x38;
	[tilespmem:$0x1A900] =	vst v63  }
0xee: {  	s6 =	simm.s32 @!p0 $0x6  }
0xef: {  	_ =	swait.ge @!p0 [sflag:s6], $0x1900  }
0xf0: {  	[sflag:s6] =	ssyncset.done @!p0 $0x0  }
0xf1: {  	[sflag:s6] =	ssyncadd.s32 @!p0 $0xFFFFE700  }
0xf2: {  	_ =	swait.ge @!p0 [sflag:s6], $0x1900  }
0xf3: {  	[sflag:s6] =	ssyncset.done @!p0 $0x0  }
0xf4: {  	[sflag:s6] =	ssyncadd.s32 @!p0 $0xFFFFE700  }
0xf5: {  	_ =	swait.ge @!p0 [sflag:s6], $0x1900  }
0xf6: {  	[sflag:s6] =	ssyncset.done @!p0 $0x0  }
0xf7: {  	[sflag:s6] =	ssyncadd.s32 @!p0 $0xFFFFE700  }
0xf8: {  	_ =	swait.ge @!p0 [sflag:s6], $0x1900  }
0xf9: {  	[sflag:s6] =	ssyncset.done @!p0 $0x0  }
0xfa: {  	s7 =	simm.s32 @!p0 $0x7D00;
	[sflag:s6] =	ssyncadd.s32 @!p0 $0xFFFFE700;
	s6 =	sadd.s32 @!p0 $0xFFFFFF38, s26  }
0xfb: {  	[tilespmem:s7], [sflag:$0x2] =	stream.indirect.gather @!p0 [hbm4b:s2+s1], $0x80, s6, s1, $0xb8;
	[tilespmem:$0x1A900] =	vst v63  }
0xfc: {  	_ =	swait.ge [sflag:s29], $0x6400  }
0xfd: {  	[sflag:s29] =	ssyncset.done $0x0  }
0xfe: {  	s6 =	sadd.s32 $0x6200, s31;
	[sflag:s29] =	ssyncadd.s32 $0xFFFF9C00  }
0xff: {  	[hbm4b:s6+s3] =	stream.linear.scatter [tilespmem:s13], [sflag:$0x8], $0x1900, $0x38;
	[tilespmem:$0x1A900] =	vst v63  }
0x100: {  	s7 =	sadd.s32 s28, s23;
	s31 =	simm.s32 $0x15E00  }
0x101: {  	[hbm4b:s7+s3] =	stream.linear.scatter [tilespmem:s31], [sflag:$0x8], $0x1900, $0x38;
	[tilespmem:$0x1A900] =	vst v63  }
.Ltmp2:
0x102: {  	_ = 	snop;
	(pc) =	sbr.rel @p0 .LBB2_4-.Ltmp2, $4  }
0x103: {  	s7 =	sadd.s32 s28, s22  }
0x104: {  	[hbm4b:s7+s3] =	stream.linear.scatter [tilespmem:s10], [sflag:$0x8], $0x1900, $0x38;
	[tilespmem:$0x1A900] =	vst v63  }
0x105: {  	s31 =	sadd.s32 s28, s21  }
0x106: {  	[hbm4b:s31+s3] =	stream.linear.scatter [tilespmem:s11], [sflag:$0x8], $0x1900, $0x38;
	[tilespmem:$0x1A900] =	vst v63  }
0x107: {  	_ =	swait.ge [sflag:s12], $0x1900  }
0x108: {  	[sflag:s12] =	ssyncset.done $0x0  }
0x109: {  	[sflag:s12] =	ssyncadd.s32 $0xFFFFE700  }
0x10a: {  	_ =	swait.ge [sflag:s12], $0x1900  }
0x10b: {  	[sflag:s12] =	ssyncset.done $0x0  }
0x10c: {  	[sflag:s12] =	ssyncadd.s32 $0xFFFFE700  }
0x10d: {  	_ =	swait.ge [sflag:s12], $0x1900  }
0x10e: {  	[sflag:s12] =	ssyncset.done $0x0  }
0x10f: {  	[sflag:s12] =	ssyncadd.s32 $0xFFFFE700  }
.Ltmp3:
0x110: {  	_ =	swait.ge [sflag:s12], $0x1900;
	(pc) =	sbr.rel .LBB2_2-.Ltmp3, $4  }
0x111: {  	[sflag:s12] =	ssyncset.done $0x0  }
0x112: {  	[sflag:s12] =	ssyncadd.s32 $0xFFFFE700  }
0x113: {  	[tilespmem:s8], [sflag:$0x3] =	stream.indirect.gather [hbm4b:s2+s5], $0x80, s26, s5, $0xb8;
	[tilespmem:$0x1A900] =	vst v63  }
0x114: {  	s28 =	sadd.s32 $0x3800, s28;
	s26 =	sadd.s32 $0x320, s26  }
.LBB2_5:
0x115: {  	_ =	sfence.sel $0x180000  }
0x116: {  	[bflag:$0x0] =	sbarrier.arrive $0xFFFF  }
0x117: {  	_ =	strace $0x90000047  }
0x118: {  	s0 =	stileid.u32;
	[bflag:$0x2] =	sbarrier.arrive $0xFFFF  }
0x119: {  	p0 =	sne.s32 s0, $0x0;
	s0 =	rddreg [dreg:$0x3]  }
0x11a: {  	s0 =	sadd.s32 @!p0 $0x100000, s0  }
0x11b: {  	[sflag:s0] =	ssyncadd.tile.s32 @!p0 $0x1;
	_ =	shalt  }
.Lfunc_end2:
_tile_overlayer_lowered:
.L_overlay_start_2:
0x11c: {  	(tag) =	ssettag $0x2  }
0x11d: {  	s0 =	rddreg [dreg:$0x0];
	s2 =	stileid.u32  }
0x11e: {  	s1 =	rddreg [dreg:$0x1];
	p0 =	sne.s32 s2, $0x0  }
0x11f: {  	s3 =	rddreg [dreg:$0x2];
	[bflag:$0x3] =	sbarrier.arrive $0xFFFF;
	s2 =	simm.s32 @!p0 $0x1C09  }
0x120: {  	[timem:s3], [sflag:s2] =	dma.local @!p0 [hbm:s0], s1  }
0x121: {  	s0 =	simm.s32 @!p0 $0x9  }
0x122: {  	_ =	swait.ge @!p0 [sflag:s0], s1  }
0x123: {  	s1 =	ssub.s32 @!p0 $0x0, s1;
	[sflag:s0] =	ssyncset.done @!p0 $0x0  }
0x124: {  	[sflag:s0] =	ssyncadd.s32 @!p0 s1  }
0x125: {  	[bflag:$0x3] =	sbarrier.arrive $0xFFFF  }
0x126: {  	_ =	shalt  }

</sc_bundles>
